<compile_context>
chip_gen: v7x
topology: tpu7x:2x2x1
jax: 0.10.2.dev20260603
libtpu: 0.0.44.dev20260713+nightly
codegen_flags: <defaults>
</compile_context>

<pallas_src>
import functools

import jax
import jax.numpy as jnp
from jax import lax
from jax.experimental import pallas as pl
from jax.experimental.pallas import tpu as pltpu
from jax.experimental.pallas import tpu_sc as plsc

NC = 2
NS = 16
NW = NC * NS
LANES = 16
CHUNK = 4096
VPC = CHUNK // LANES


def _sc_spmv_kernel(n, m, nnz):
    nnz_per_w = nnz // NW
    n_chunks = nnz_per_w // CHUNK
    assert nnz_per_w % CHUNK == 0 and n_chunks % 2 == 0
    assert n == m and n % CHUNK == 0

    mesh = plsc.VectorSubcoreMesh(core_axis_name="c", subcore_axis_name="s")
    f32 = jnp.float32
    i32 = jnp.int32

    @functools.partial(
        pl.kernel,
        out_type=(
            jax.ShapeDtypeStruct((NW, n), f32),
            jax.ShapeDtypeStruct((NW, n), f32),
            jax.ShapeDtypeStruct((NW, m), f32),
        ),
        mesh=mesh,
        compiler_params=pltpu.CompilerParams(needs_layout_passes=False),
        scratch_types=dict(
            x_v=pltpu.MemorySpace.VMEM((n,), f32),
            wy_v=pltpu.MemorySpace.VMEM((m,), f32),
            acc_px=pltpu.MemorySpace.VMEM((n,), f32),
            acc_aty=pltpu.MemorySpace.VMEM((n,), f32),
            acc_ax=pltpu.MemorySpace.VMEM((m,), f32),
            rows0=pltpu.MemorySpace.VMEM((CHUNK,), i32),
            cols0=pltpu.MemorySpace.VMEM((CHUNK,), i32),
            data0=pltpu.MemorySpace.VMEM((CHUNK,), f32),
            rows1=pltpu.MemorySpace.VMEM((CHUNK,), i32),
            cols1=pltpu.MemorySpace.VMEM((CHUNK,), i32),
            data1=pltpu.MemorySpace.VMEM((CHUNK,), f32),
            tmp_v=pltpu.MemorySpace.VMEM((CHUNK,), f32),
            tmp2_v=pltpu.MemorySpace.VMEM((CHUNK,), f32),
            semr0=pltpu.SemaphoreType.DMA,
            semc0=pltpu.SemaphoreType.DMA,
            semd0=pltpu.SemaphoreType.DMA,
            semr1=pltpu.SemaphoreType.DMA,
            semc1=pltpu.SemaphoreType.DMA,
            semd1=pltpu.SemaphoreType.DMA,
            semx=pltpu.SemaphoreType.DMA,
            semy=pltpu.SemaphoreType.DMA,
            semz=pltpu.SemaphoreType.DMA,
        ),
    )
    def spmv(p_data, p_rows, p_cols, a_data, a_rows, a_cols, x_h, y_h, s_h,
             o_px, o_aty, o_ax,
             x_v, wy_v, acc_px, acc_aty, acc_ax,
             rows0, cols0, data0, rows1, cols1, data1,
             tmp_v, tmp2_v,
             semr0, semc0, semd0, semr1, semc1, semd1,
             semx, semy, semz):
        cid = lax.axis_index("c")
        sid = lax.axis_index("s")
        wid = cid * NS + sid
        base = wid * nnz_per_w

        sets = ((rows0, cols0, data0, semr0, semc0, semd0),
                (rows1, cols1, data1, semr1, semc1, semd1))

        def issue(buf, dh, rh, ch_, off):
            rows_v, cols_v, data_v, sr, sc, sd = buf
            c0 = pltpu.async_copy(rh.at[pl.ds(off, CHUNK)], rows_v, sr)
            c1 = pltpu.async_copy(ch_.at[pl.ds(off, CHUNK)], cols_v, sc)
            c2 = pltpu.async_copy(dh.at[pl.ds(off, CHUNK)], data_v, sd)
            return c0, c1, c2

        def wait(buf, dh, rh, ch_):
            rows_v, cols_v, data_v, sr, sc, sd = buf
            pltpu.make_async_copy(rh.at[pl.ds(0, CHUNK)], rows_v, sr).wait()
            pltpu.make_async_copy(ch_.at[pl.ds(0, CHUNK)], cols_v, sc).wait()
            pltpu.make_async_copy(dh.at[pl.ds(0, CHUNK)], data_v, sd).wait()

        def process_p(buf):
            rows_v, cols_v, data_v, *_ = buf

            @plsc.parallel_loop(0, VPC, unroll=16)
            def _(i):
                sl = pl.ds(i * LANES, LANES)
                vals = data_v[sl] * plsc.load_gather(x_v, [cols_v[sl]])
                plsc.addupdate_scatter(acc_px, [rows_v[sl]], vals)

        def process_a(buf):
            rows_v, cols_v, data_v, *_ = buf

            @plsc.parallel_loop(0, VPC, unroll=16)
            def _(i):
                sl = pl.ds(i * LANES, LANES)
                rows = rows_v[sl]
                cols = cols_v[sl]
                data = data_v[sl]
                plsc.addupdate_scatter(acc_ax, [rows],
                                       data * plsc.load_gather(x_v, [cols]))
                wyg = plsc.load_gather(wy_v, [rows])
                plsc.addupdate_scatter(acc_aty, [cols], data * wyg,
                                       mask=wyg > 0.0)

        def pass_over(dh, rh, ch_, process, prefetched=False):
            if not prefetched:
                issue(sets[0], dh, rh, ch_, base)

            def pair_body(p, _):
                off0 = base + (2 * p) * CHUNK
                wait(sets[0], dh, rh, ch_)
                issue(sets[1], dh, rh, ch_, off0 + CHUNK)
                process(sets[0])
                wait(sets[1], dh, rh, ch_)

                @pl.when(2 * p + 2 < n_chunks)
                def _():
                    issue(sets[0], dh, rh, ch_, off0 + 2 * CHUNK)

                process(sets[1])
                return 0

            lax.fori_loop(0, n_chunks // 2, pair_body, 0)

        issue(sets[0], p_data, p_rows, p_cols, base)
        cx = pltpu.async_copy(x_h, x_v, semx)
        for ch in range(m // CHUNK):
            off = ch * CHUNK
            cy = pltpu.async_copy(y_h.at[pl.ds(off, CHUNK)], tmp_v, semy)
            cs = pltpu.async_copy(s_h.at[pl.ds(off, CHUNK)], tmp2_v, semz)
            cy.wait()
            cs.wait()

            @plsc.parallel_loop(0, VPC, unroll=8)
            def _(i):
                z = jnp.zeros((LANES,), f32)
                sl = pl.ds(i * LANES, LANES)
                gsl = pl.ds(off + i * LANES, LANES)
                wy_v[gsl] = jnp.maximum(tmp_v[sl] - tmp2_v[sl], 0.0)
                acc_px[gsl] = z
                acc_aty[gsl] = z
                acc_ax[gsl] = z

        cx.wait()

        pass_over(p_data, p_rows, p_cols, process_p, prefetched=True)
        pass_over(a_data, a_rows, a_cols, process_a)

        e0 = pltpu.async_copy(acc_px, o_px.at[wid], semx)
        e1 = pltpu.async_copy(acc_aty, o_aty.at[wid], semy)
        e2 = pltpu.async_copy(acc_ax, o_ax.at[wid], semz)
        e0.wait()
        e1.wait()
        e2.wait()

    return spmv


def _tc_combine(p_px, p_aty, p_ax, q2, b2, x2, y2, s2):
    n = q2.shape[1]
    m = b2.shape[1]
    f32 = jnp.float32

    def body(px_ref, aty_ref, ax_ref, q_ref, b_ref, x_ref, y_ref, s_ref,
             out_ref):
        px = jnp.sum(px_ref[...], axis=0, keepdims=True)
        aty = jnp.sum(aty_ref[...], axis=0, keepdims=True)
        ax = jnp.sum(ax_ref[...], axis=0, keepdims=True)
        q = q_ref[...]
        b = b_ref[...]
        x = x_ref[...]
        wy = jnp.maximum(y_ref[...] - s_ref[...], 0.0)
        out_ref[:, pl.ds(0, n)] = px + aty + q
        out_ref[:, pl.ds(n, m)] = b - ax
        xtpx = jnp.sum(x * px)
        qx = jnp.sum(q * x)
        bwy = jnp.sum(b * wy)
        out_ref[:, pl.ds(n + m, 1)] = jnp.reshape(
            -(qx + xtpx) - bwy + 0.5 * xtpx, (1, 1))

    return pl.pallas_call(
        body,
        out_shape=jax.ShapeDtypeStruct((1, n + m + 1), f32),
    )(p_px, p_aty, p_ax, q2, b2, x2, y2, s2)


def kernel(P_data, A_data, q, b, x, y, s, P_rows, P_cols, A_rows, A_cols):
    n = x.shape[0]
    m = y.shape[0]
    nnz = P_data.shape[0]

    spmv = _sc_spmv_kernel(n, m, nnz)
    p_px, p_aty, p_ax = spmv(P_data, P_rows, P_cols, A_data, A_rows, A_cols,
                             x, y, s)

    out = _tc_combine(
        p_px, p_aty, p_ax,
        q.reshape(1, n), b.reshape(1, m), x.reshape(1, n),
        y.reshape(1, m), s.reshape(1, m))

    return out.reshape(-1)

# --- scband reference (transcript-rebuilt; emitter-appended) ---
"""Pipeline reference for scband-host-qcp-19258633355455 (READ-ONLY COPY).

The authoritative reference and input builder live on the scoring server;
editing this copy changes nothing except your own understanding.
"""

import jax, jax.numpy as jnp
import numpy as np

N = 16384
M = 16384
NNZ = 2621440


def spmv(data, rows, cols, vec, num_rows):
    # sparse matrix (COO) times dense vector: gather + scatter-add
    return jax.ops.segment_sum(data * vec[cols], rows, num_segments=num_rows)


def setup_inputs(seed: int = 0) -> dict:
    key = jax.random.key(seed)
    ks = jax.random.split(key, 12)
    P_rows = jax.random.randint(ks[0], (NNZ,), 0, N)
    P_cols = jax.random.randint(ks[1], (NNZ,), 0, N)
    P_data = jax.random.normal(ks[2], (NNZ,), dtype=jnp.float32)
    A_rows = jax.random.randint(ks[3], (NNZ,), 0, M)
    A_cols = jax.random.randint(ks[4], (NNZ,), 0, N)
    A_data = jax.random.normal(ks[5], (NNZ,), dtype=jnp.float32)
    q = jax.random.normal(ks[6], (N,), dtype=jnp.float32)
    b = jax.random.normal(ks[7], (M,), dtype=jnp.float32)
    x = jax.random.normal(ks[8], (N,), dtype=jnp.float32)
    y = jax.random.normal(ks[9], (M,), dtype=jnp.float32)
    s = jax.random.normal(ks[10], (M,), dtype=jnp.float32)
    return {
        'P_data': P_data, 'A_data': A_data, 'q': q, 'b': b,
        'x': x, 'y': y, 's': s,
        'P_rows': P_rows, 'P_cols': P_cols, 'A_rows': A_rows, 'A_cols': A_cols,
    }


def reference(P_data, A_data, q, b, x, y, s, P_rows, P_cols, A_rows, A_cols):
    # _form_atoms of HostQCP, applied to the point pi(z).
    # Cone K* taken as the nonnegative orthant: projection = relu,
    # derivative of projection = diagonal 0/1 mask.
    v = y - s
    proj_kstar_v = jnp.maximum(v, 0.0)
    mask = (v > 0.0).astype(x.dtype)
    tau = jnp.array(1.0, dtype=x.dtype)

    pi_z = jnp.concatenate([x, proj_kstar_v, jnp.ones((1,), dtype=x.dtype)])

    Px = spmv(P_data, P_rows, P_cols, x, N)
    xTPx = x @ Px

    # dpi_z applied to pi_z (block-diag: I, dproj, I)
    w_x = pi_z[:N]
    w_y = mask * pi_z[N:N + M]
    w_t = pi_z[N + M:]

    # DuQ (derivative of homogeneous residual map for the QCP) applied to (w_x, w_y, w_t)
    Pw = spmv(P_data, P_rows, P_cols, w_x, N)
    ATwy = spmv(A_data, A_cols, A_rows, w_y, N)  # A^T w_y
    Awx = spmv(A_data, A_rows, A_cols, w_x, M)   # A w_x
    out_x = Pw + ATwy + q * w_t
    out_y = -Awx + b * w_t
    out_t = -(q + Px / tau) @ w_x - b @ w_y + (xTPx / (2.0 * tau ** 2)) * w_t
    DzQ_dpi = jnp.concatenate([out_x, out_y, out_t.reshape(-1)[:1]])

    dpi_pz = jnp.concatenate([w_x, w_y, w_t])

    # F = DzQ @ dpi - dpi + I, applied to pi_z
    F_pi_z = DzQ_dpi - dpi_pz + pi_z
    return F_pi_z

if __name__ == "__main__":
    import jax
    _d = setup_inputs()
    print(jax.jit(kernel)(*tuple(_d.values())))

</pallas_src>

<mosaic_0001>
#map = affine_map<(d0, d1) -> (0)>
#map1 = affine_map<(d0, d1) -> (0, 0)>
module attributes {stable_mosaic.version = 14 : i64} {
  func.func @spmv(%arg0: i32, %arg1: i32, %arg2: memref<2621440xf32, #tpu.memory_space<hbm>>, %arg3: memref<2621440xi32, #tpu.memory_space<hbm>>, %arg4: memref<2621440xi32, #tpu.memory_space<hbm>>, %arg5: memref<2621440xf32, #tpu.memory_space<hbm>>, %arg6: memref<2621440xi32, #tpu.memory_space<hbm>>, %arg7: memref<2621440xi32, #tpu.memory_space<hbm>>, %arg8: memref<16384xf32, #tpu.memory_space<hbm>>, %arg9: memref<16384xf32, #tpu.memory_space<hbm>>, %arg10: memref<16384xf32, #tpu.memory_space<hbm>>, %arg11: memref<32x16384xf32, #tpu.memory_space<hbm>>, %arg12: memref<32x16384xf32, #tpu.memory_space<hbm>>, %arg13: memref<32x16384xf32, #tpu.memory_space<hbm>>, %arg14: memref<16384xf32, #tpu.memory_space<vmem>>, %arg15: memref<16384xf32, #tpu.memory_space<vmem>>, %arg16: memref<16384xf32, #tpu.memory_space<vmem>>, %arg17: memref<4096xi32, #tpu.memory_space<vmem>>, %arg18: memref<4096xi32, #tpu.memory_space<vmem>>, %arg19: memref<4096xf32, #tpu.memory_space<vmem>>, %arg20: memref<4096xf32, #tpu.memory_space<vmem>>, %arg21: memref<4096xi32, #tpu.memory_space<vmem>>, %arg22: memref<4096xi32, #tpu.memory_space<vmem>>, %arg23: memref<!tpu.dma_semaphore, #tpu.memory_space<semaphore_mem>>, %arg24: memref<!tpu.dma_semaphore, #tpu.memory_space<semaphore_mem>>, %arg25: memref<!tpu.dma_semaphore, #tpu.memory_space<semaphore_mem>>, %arg26: memref<!tpu.dma_semaphore, #tpu.memory_space<semaphore_mem>>, %arg27: memref<!tpu.dma_semaphore, #tpu.memory_space<semaphore_mem>>, %arg28: memref<!tpu.dma_semaphore, #tpu.memory_space<semaphore_mem>>, %arg29: memref<!tpu.dma_semaphore, #tpu.memory_space<semaphore_mem>>, %arg30: memref<!tpu.dma_semaphore, #tpu.memory_space<semaphore_mem>>, %arg31: memref<!tpu.dma_semaphore, #tpu.memory_space<semaphore_mem>>, %arg32: memref<4096xf32, #tpu.memory_space<vmem>>, %arg33: memref<4096xf32, #tpu.memory_space<vmem>>, %arg34: memref<16384xf32, #tpu.memory_space<vmem>>, %arg35: memref<16384xf32, #tpu.memory_space<vmem>>) attributes {dimension_semantics = [#tpu.dimension_semantics<core_parallel>, #tpu.dimension_semantics<subcore_parallel>], iteration_bounds = array<i64: 2, 16>, scalar_prefetch = 0 : i64, scratch_operands = 22 : i64, tpu.core_type = #tpu.core_type<sc_vector_subcore>, window_params = [{transform_indices = #map}, {transform_indices = #map}, {transform_indices = #map}, {transform_indices = #map}, {transform_indices = #map}, {transform_indices = #map}, {transform_indices = #map}, {transform_indices = #map}, {transform_indices = #map}, {transform_indices = #map1}, {transform_indices = #map1}, {transform_indices = #map1}]} {
    %mul3A = arith.constant 16 : i32
    %mul3A_0 = arith.muli %arg0, %mul3A : i32
    %add3A = arith.addi %mul3A_0, %arg1 : i32
    %mul3A_1 = arith.constant 81920 : i32
    %mul3A_2 = arith.muli %add3A, %mul3A_1 : i32
    %dma_start3A = tpu.memref_slice %arg3[%mul3A_2] : memref<2621440xi32, #tpu.memory_space<hbm>> -> memref<4096xi32, #tpu.memory_space<hbm>>
    %dma_start3A_3 = tpu.memref_slice %arg3[%mul3A_2] : memref<2621440xi32, #tpu.memory_space<hbm>> -> memref<4096xi32, #tpu.memory_space<hbm>>
    tpu.enqueue_dma source(%dma_start3A_3 : memref<4096xi32, #tpu.memory_space<hbm>>) target(%arg21 : memref<4096xi32, #tpu.memory_space<vmem>>) target_semaphore(%arg27 : memref<!tpu.dma_semaphore, #tpu.memory_space<semaphore_mem>>)
    %dma_start3A_4 = tpu.memref_slice %arg4[%mul3A_2] : memref<2621440xi32, #tpu.memory_space<hbm>> -> memref<4096xi32, #tpu.memory_space<hbm>>
    %dma_start3A_5 = tpu.memref_slice %arg4[%mul3A_2] : memref<2621440xi32, #tpu.memory_space<hbm>> -> memref<4096xi32, #tpu.memory_space<hbm>>
    tpu.enqueue_dma source(%dma_start3A_5 : memref<4096xi32, #tpu.memory_space<hbm>>) target(%arg17 : memref<4096xi32, #tpu.memory_space<vmem>>) target_semaphore(%arg23 : memref<!tpu.dma_semaphore, #tpu.memory_space<semaphore_mem>>)
    %dma_start3A_6 = tpu.memref_slice %arg2[%mul3A_2] : memref<2621440xf32, #tpu.memory_space<hbm>> -> memref<4096xf32, #tpu.memory_space<hbm>>
    %dma_start3A_7 = tpu.memref_slice %arg2[%mul3A_2] : memref<2621440xf32, #tpu.memory_space<hbm>> -> memref<4096xf32, #tpu.memory_space<hbm>>
    tpu.enqueue_dma source(%dma_start3A_7 : memref<4096xf32, #tpu.memory_space<hbm>>) target(%arg19 : memref<4096xf32, #tpu.memory_space<vmem>>) target_semaphore(%arg25 : memref<!tpu.dma_semaphore, #tpu.memory_space<semaphore_mem>>)
    tpu.enqueue_dma source(%arg8 : memref<16384xf32, #tpu.memory_space<hbm>>) target(%arg35 : memref<16384xf32, #tpu.memory_space<vmem>>) target_semaphore(%arg29 : memref<!tpu.dma_semaphore, #tpu.memory_space<semaphore_mem>>)
    %dma_start3A_8 = arith.constant 0 : i32
    %dma_start3A_9 = tpu.memref_slice %arg9[%dma_start3A_8] : memref<16384xf32, #tpu.memory_space<hbm>> -> memref<4096xf32, #tpu.memory_space<hbm>>
    %dma_start3A_10 = arith.constant 0 : i32
    %dma_start3A_11 = tpu.memref_slice %arg9[%dma_start3A_10] : memref<16384xf32, #tpu.memory_space<hbm>> -> memref<4096xf32, #tpu.memory_space<hbm>>
    tpu.enqueue_dma source(%dma_start3A_11 : memref<4096xf32, #tpu.memory_space<hbm>>) target(%arg33 : memref<4096xf32, #tpu.memory_space<vmem>>) target_semaphore(%arg30 : memref<!tpu.dma_semaphore, #tpu.memory_space<semaphore_mem>>)
    %dma_start3A_12 = arith.constant 0 : i32
    %dma_start3A_13 = tpu.memref_slice %arg10[%dma_start3A_12] : memref<16384xf32, #tpu.memory_space<hbm>> -> memref<4096xf32, #tpu.memory_space<hbm>>
    %dma_start3A_14 = arith.constant 0 : i32
    %dma_start3A_15 = tpu.memref_slice %arg10[%dma_start3A_14] : memref<16384xf32, #tpu.memory_space<hbm>> -> memref<4096xf32, #tpu.memory_space<hbm>>
    tpu.enqueue_dma source(%dma_start3A_15 : memref<4096xf32, #tpu.memory_space<hbm>>) target(%arg32 : memref<4096xf32, #tpu.memory_space<vmem>>) target_semaphore(%arg31 : memref<!tpu.dma_semaphore, #tpu.memory_space<semaphore_mem>>)
    %dma_wait3A = arith.constant 0 : i32
    %dma_wait3A_16 = tpu.memref_slice %arg9[%dma_wait3A] : memref<16384xf32, #tpu.memory_space<hbm>> -> memref<4096xf32, #tpu.memory_space<hbm>>
    %dma_wait3A_17 = arith.constant 0 : i32
    %dma_wait3A_18 = tpu.memref_slice %arg9[%dma_wait3A_17] : memref<16384xf32, #tpu.memory_space<hbm>> -> memref<4096xf32, #tpu.memory_space<hbm>>
    tpu.wait_dma2 semaphore(%arg30 : memref<!tpu.dma_semaphore, #tpu.memory_space<semaphore_mem>>) src(%dma_wait3A_18 : memref<4096xf32, #tpu.memory_space<hbm>>) dst(%arg33 : memref<4096xf32, #tpu.memory_space<vmem>>)
    %dma_wait3A_19 = arith.constant 0 : i32
    %dma_wait3A_20 = tpu.memref_slice %arg10[%dma_wait3A_19] : memref<16384xf32, #tpu.memory_space<hbm>> -> memref<4096xf32, #tpu.memory_space<hbm>>
    %dma_wait3A_21 = arith.constant 0 : i32
    %dma_wait3A_22 = tpu.memref_slice %arg10[%dma_wait3A_21] : memref<16384xf32, #tpu.memory_space<hbm>> -> memref<4096xf32, #tpu.memory_space<hbm>>
    tpu.wait_dma2 semaphore(%arg31 : memref<!tpu.dma_semaphore, #tpu.memory_space<semaphore_mem>>) src(%dma_wait3A_22 : memref<4096xf32, #tpu.memory_space<hbm>>) dst(%arg32 : memref<4096xf32, #tpu.memory_space<vmem>>)
    %parallel_loop3A = arith.constant 0 : i32
    %parallel_loop3A_23 = arith.constant 256 : i32
    %parallel_loop3A_24 = arith.constant 1 : i32
    scf.for %parallel_loop3A_137 = %parallel_loop3A to %parallel_loop3A_23 step %parallel_loop3A_24  : i32 {
      %parallel_loop3A_138 = arith.constant 0.000000e+00 : f32
      %parallel_loop3A_139 = vector.broadcast %parallel_loop3A_138 : f32 to vector<16xf32>
      %parallel_loop3A_140 = arith.constant 16 : i32
      %parallel_loop3A_141 = arith.muli %parallel_loop3A_137, %parallel_loop3A_140 : i32
      %parallel_loop3A_142 = arith.constant 16 : i32
      %parallel_loop3A_143 = arith.muli %parallel_loop3A_137, %parallel_loop3A_142 : i32
      %parallel_loop3A_144 = arith.constant 0 : i32
      %parallel_loop3A_145 = arith.addi %parallel_loop3A_144, %parallel_loop3A_143 : i32
      %parallel_loop3A_146 = arith.index_cast %parallel_loop3A_141 : i32 to index
      %parallel_loop3A_147 = tpu.vector_load %arg33[%parallel_loop3A_146] {strides = array<i32>} : memref<4096xf32, #tpu.memory_space<vmem>>, vector<16xf32>,
      %parallel_loop3A_148 = arith.index_cast %parallel_loop3A_141 : i32 to index
      %parallel_loop3A_149 = tpu.vector_load %arg32[%parallel_loop3A_148] {strides = array<i32>} : memref<4096xf32, #tpu.memory_space<vmem>>, vector<16xf32>,
      %parallel_loop3A_150 = arith.subf %parallel_loop3A_147, %parallel_loop3A_149 : vector<16xf32>
      %parallel_loop3A_151 = arith.constant 0.000000e+00 : f32
      %parallel_loop3A_152 = vector.broadcast %parallel_loop3A_151 : f32 to vector<16xf32>
      %parallel_loop3A_153 = arith.maximumf %parallel_loop3A_150, %parallel_loop3A_152 : vector<16xf32>
      %parallel_loop3A_154 = arith.index_cast %parallel_loop3A_145 : i32 to index
      %parallel_loop3A_155 = tpu.vector_load %arg34[%parallel_loop3A_154] {strides = array<i32>} : memref<16384xf32, #tpu.memory_space<vmem>>, vector<16xf32>,
      tpu.vector_store %arg34[%parallel_loop3A_154], %parallel_loop3A_153 {strides = array<i32>} : memref<16384xf32, #tpu.memory_space<vmem>>, vector<16xf32>,
      %parallel_loop3A_156 = arith.index_cast %parallel_loop3A_145 : i32 to index
      %parallel_loop3A_157 = tpu.vector_load %arg16[%parallel_loop3A_156] {strides = array<i32>} : memref<16384xf32, #tpu.memory_space<vmem>>, vector<16xf32>,
      tpu.vector_store %arg16[%parallel_loop3A_156], %parallel_loop3A_139 {strides = array<i32>} : memref<16384xf32, #tpu.memory_space<vmem>>, vector<16xf32>,
      %parallel_loop3A_158 = arith.index_cast %parallel_loop3A_145 : i32 to index
      %parallel_loop3A_159 = tpu.vector_load %arg14[%parallel_loop3A_158] {strides = array<i32>} : memref<16384xf32, #tpu.memory_space<vmem>>, vector<16xf32>,
      tpu.vector_store %arg14[%parallel_loop3A_158], %parallel_loop3A_139 {strides = array<i32>} : memref<16384xf32, #tpu.memory_space<vmem>>, vector<16xf32>,
      %parallel_loop3A_160 = arith.index_cast %parallel_loop3A_145 : i32 to index
      %parallel_loop3A_161 = tpu.vector_load %arg15[%parallel_loop3A_160] {strides = array<i32>} : memref<16384xf32, #tpu.memory_space<vmem>>, vector<16xf32>,
      tpu.vector_store %arg15[%parallel_loop3A_160], %parallel_loop3A_139 {strides = array<i32>} : memref<16384xf32, #tpu.memory_space<vmem>>, vector<16xf32>,
    } {sc.loop_unroll_factor = 8 : i64, sc.parallel_access}
    %dma_start3A_25 = arith.constant 4096 : i32
    %dma_start3A_26 = tpu.memref_slice %arg9[%dma_start3A_25] : memref<16384xf32, #tpu.memory_space<hbm>> -> memref<4096xf32, #tpu.memory_space<hbm>>
    %dma_start3A_27 = arith.constant 4096 : i32
    %dma_start3A_28 = tpu.memref_slice %arg9[%dma_start3A_27] : memref<16384xf32, #tpu.memory_space<hbm>> -> memref<4096xf32, #tpu.memory_space<hbm>>
    tpu.enqueue_dma source(%dma_start3A_28 : memref<4096xf32, #tpu.memory_space<hbm>>) target(%arg33 : memref<4096xf32, #tpu.memory_space<vmem>>) target_semaphore(%arg30 : memref<!tpu.dma_semaphore, #tpu.memory_space<semaphore_mem>>)
    %dma_start3A_29 = arith.constant 4096 : i32
    %dma_start3A_30 = tpu.memref_slice %arg10[%dma_start3A_29] : memref<16384xf32, #tpu.memory_space<hbm>> -> memref<4096xf32, #tpu.memory_space<hbm>>
    %dma_start3A_31 = arith.constant 4096 : i32
    %dma_start3A_32 = tpu.memref_slice %arg10[%dma_start3A_31] : memref<16384xf32, #tpu.memory_space<hbm>> -> memref<4096xf32, #tpu.memory_space<hbm>>
    tpu.enqueue_dma source(%dma_start3A_32 : memref<4096xf32, #tpu.memory_space<hbm>>) target(%arg32 : memref<4096xf32, #tpu.memory_space<vmem>>) target_semaphore(%arg31 : memref<!tpu.dma_semaphore, #tpu.memory_space<semaphore_mem>>)
    %dma_wait3A_33 = arith.constant 4096 : i32
    %dma_wait3A_34 = tpu.memref_slice %arg9[%dma_wait3A_33] : memref<16384xf32, #tpu.memory_space<hbm>> -> memref<4096xf32, #tpu.memory_space<hbm>>
    %dma_wait3A_35 = arith.constant 4096 : i32
    %dma_wait3A_36 = tpu.memref_slice %arg9[%dma_wait3A_35] : memref<16384xf32, #tpu.memory_space<hbm>> -> memref<4096xf32, #tpu.memory_space<hbm>>
    tpu.wait_dma2 semaphore(%arg30 : memref<!tpu.dma_semaphore, #tpu.memory_space<semaphore_mem>>) src(%dma_wait3A_36 : memref<4096xf32, #tpu.memory_space<hbm>>) dst(%arg33 : memref<4096xf32, #tpu.memory_space<vmem>>)
    %dma_wait3A_37 = arith.constant 4096 : i32
    %dma_wait3A_38 = tpu.memref_slice %arg10[%dma_wait3A_37] : memref<16384xf32, #tpu.memory_space<hbm>> -> memref<4096xf32, #tpu.memory_space<hbm>>
    %dma_wait3A_39 = arith.constant 4096 : i32
    %dma_wait3A_40 = tpu.memref_slice %arg10[%dma_wait3A_39] : memref<16384xf32, #tpu.memory_space<hbm>> -> memref<4096xf32, #tpu.memory_space<hbm>>
    tpu.wait_dma2 semaphore(%arg31 : memref<!tpu.dma_semaphore, #tpu.memory_space<semaphore_mem>>) src(%dma_wait3A_40 : memref<4096xf32, #tpu.memory_space<hbm>>) dst(%arg32 : memref<4096xf32, #tpu.memory_space<vmem>>)
    %parallel_loop3A_41 = arith.constant 0 : i32
    %parallel_loop3A_42 = arith.constant 256 : i32
    %parallel_loop3A_43 = arith.constant 1 : i32
    scf.for %parallel_loop3A_137 = %parallel_loop3A_41 to %parallel_loop3A_42 step %parallel_loop3A_43  : i32 {
      %parallel_loop3A_138 = arith.constant 0.000000e+00 : f32
      %parallel_loop3A_139 = vector.broadcast %parallel_loop3A_138 : f32 to vector<16xf32>
      %parallel_loop3A_140 = arith.constant 16 : i32
      %parallel_loop3A_141 = arith.muli %parallel_loop3A_137, %parallel_loop3A_140 : i32
      %parallel_loop3A_142 = arith.constant 16 : i32
      %parallel_loop3A_143 = arith.muli %parallel_loop3A_137, %parallel_loop3A_142 : i32
      %parallel_loop3A_144 = arith.constant 4096 : i32
      %parallel_loop3A_145 = arith.addi %parallel_loop3A_144, %parallel_loop3A_143 : i32
      %parallel_loop3A_146 = arith.index_cast %parallel_loop3A_141 : i32 to index
      %parallel_loop3A_147 = tpu.vector_load %arg33[%parallel_loop3A_146] {strides = array<i32>} : memref<4096xf32, #tpu.memory_space<vmem>>, vector<16xf32>,
      %parallel_loop3A_148 = arith.index_cast %parallel_loop3A_141 : i32 to index
      %parallel_loop3A_149 = tpu.vector_load %arg32[%parallel_loop3A_148] {strides = array<i32>} : memref<4096xf32, #tpu.memory_space<vmem>>, vector<16xf32>,
      %parallel_loop3A_150 = arith.subf %parallel_loop3A_147, %parallel_loop3A_149 : vector<16xf32>
      %parallel_loop3A_151 = arith.constant 0.000000e+00 : f32
      %parallel_loop3A_152 = vector.broadcast %parallel_loop3A_151 : f32 to vector<16xf32>
      %parallel_loop3A_153 = arith.maximumf %parallel_loop3A_150, %parallel_loop3A_152 : vector<16xf32>
      %parallel_loop3A_154 = arith.index_cast %parallel_loop3A_145 : i32 to index
      %parallel_loop3A_155 = tpu.vector_load %arg34[%parallel_loop3A_154] {strides = array<i32>} : memref<16384xf32, #tpu.memory_space<vmem>>, vector<16xf32>,
      tpu.vector_store %arg34[%parallel_loop3A_154], %parallel_loop3A_153 {strides = array<i32>} : memref<16384xf32, #tpu.memory_space<vmem>>, vector<16xf32>,
      %parallel_loop3A_156 = arith.index_cast %parallel_loop3A_145 : i32 to index
      %parallel_loop3A_157 = tpu.vector_load %arg16[%parallel_loop3A_156] {strides = array<i32>} : memref<16384xf32, #tpu.memory_space<vmem>>, vector<16xf32>,
      tpu.vector_store %arg16[%parallel_loop3A_156], %parallel_loop3A_139 {strides = array<i32>} : memref<16384xf32, #tpu.memory_space<vmem>>, vector<16xf32>,
      %parallel_loop3A_158 = arith.index_cast %parallel_loop3A_145 : i32 to index
      %parallel_loop3A_159 = tpu.vector_load %arg14[%parallel_loop3A_158] {strides = array<i32>} : memref<16384xf32, #tpu.memory_space<vmem>>, vector<16xf32>,
      tpu.vector_store %arg14[%parallel_loop3A_158], %parallel_loop3A_139 {strides = array<i32>} : memref<16384xf32, #tpu.memory_space<vmem>>, vector<16xf32>,
      %parallel_loop3A_160 = arith.index_cast %parallel_loop3A_145 : i32 to index
      %parallel_loop3A_161 = tpu.vector_load %arg15[%parallel_loop3A_160] {strides = array<i32>} : memref<16384xf32, #tpu.memory_space<vmem>>, vector<16xf32>,
      tpu.vector_store %arg15[%parallel_loop3A_160], %parallel_loop3A_139 {strides = array<i32>} : memref<16384xf32, #tpu.memory_space<vmem>>, vector<16xf32>,
    } {sc.loop_unroll_factor = 8 : i64, sc.parallel_access}
    %dma_start3A_44 = arith.constant 8192 : i32
    %dma_start3A_45 = tpu.memref_slice %arg9[%dma_start3A_44] : memref<16384xf32, #tpu.memory_space<hbm>> -> memref<4096xf32, #tpu.memory_space<hbm>>
    %dma_start3A_46 = arith.constant 8192 : i32
    %dma_start3A_47 = tpu.memref_slice %arg9[%dma_start3A_46] : memref<16384xf32, #tpu.memory_space<hbm>> -> memref<4096xf32, #tpu.memory_space<hbm>>
    tpu.enqueue_dma source(%dma_start3A_47 : memref<4096xf32, #tpu.memory_space<hbm>>) target(%arg33 : memref<4096xf32, #tpu.memory_space<vmem>>) target_semaphore(%arg30 : memref<!tpu.dma_semaphore, #tpu.memory_space<semaphore_mem>>)
    %dma_start3A_48 = arith.constant 8192 : i32
    %dma_start3A_49 = tpu.memref_slice %arg10[%dma_start3A_48] : memref<16384xf32, #tpu.memory_space<hbm>> -> memref<4096xf32, #tpu.memory_space<hbm>>
    %dma_start3A_50 = arith.constant 8192 : i32
    %dma_start3A_51 = tpu.memref_slice %arg10[%dma_start3A_50] : memref<16384xf32, #tpu.memory_space<hbm>> -> memref<4096xf32, #tpu.memory_space<hbm>>
    tpu.enqueue_dma source(%dma_start3A_51 : memref<4096xf32, #tpu.memory_space<hbm>>) target(%arg32 : memref<4096xf32, #tpu.memory_space<vmem>>) target_semaphore(%arg31 : memref<!tpu.dma_semaphore, #tpu.memory_space<semaphore_mem>>)
    %dma_wait3A_52 = arith.constant 8192 : i32
    %dma_wait3A_53 = tpu.memref_slice %arg9[%dma_wait3A_52] : memref<16384xf32, #tpu.memory_space<hbm>> -> memref<4096xf32, #tpu.memory_space<hbm>>
    %dma_wait3A_54 = arith.constant 8192 : i32
    %dma_wait3A_55 = tpu.memref_slice %arg9[%dma_wait3A_54] : memref<16384xf32, #tpu.memory_space<hbm>> -> memref<4096xf32, #tpu.memory_space<hbm>>
    tpu.wait_dma2 semaphore(%arg30 : memref<!tpu.dma_semaphore, #tpu.memory_space<semaphore_mem>>) src(%dma_wait3A_55 : memref<4096xf32, #tpu.memory_space<hbm>>) dst(%arg33 : memref<4096xf32, #tpu.memory_space<vmem>>)
    %dma_wait3A_56 = arith.constant 8192 : i32
    %dma_wait3A_57 = tpu.memref_slice %arg10[%dma_wait3A_56] : memref<16384xf32, #tpu.memory_space<hbm>> -> memref<4096xf32, #tpu.memory_space<hbm>>
    %dma_wait3A_58 = arith.constant 8192 : i32
    %dma_wait3A_59 = tpu.memref_slice %arg10[%dma_wait3A_58] : memref<16384xf32, #tpu.memory_space<hbm>> -> memref<4096xf32, #tpu.memory_space<hbm>>
    tpu.wait_dma2 semaphore(%arg31 : memref<!tpu.dma_semaphore, #tpu.memory_space<semaphore_mem>>) src(%dma_wait3A_59 : memref<4096xf32, #tpu.memory_space<hbm>>) dst(%arg32 : memref<4096xf32, #tpu.memory_space<vmem>>)
    %parallel_loop3A_60 = arith.constant 0 : i32
    %parallel_loop3A_61 = arith.constant 256 : i32
    %parallel_loop3A_62 = arith.constant 1 : i32
    scf.for %parallel_loop3A_137 = %parallel_loop3A_60 to %parallel_loop3A_61 step %parallel_loop3A_62  : i32 {
      %parallel_loop3A_138 = arith.constant 0.000000e+00 : f32
      %parallel_loop3A_139 = vector.broadcast %parallel_loop3A_138 : f32 to vector<16xf32>
      %parallel_loop3A_140 = arith.constant 16 : i32
      %parallel_loop3A_141 = arith.muli %parallel_loop3A_137, %parallel_loop3A_140 : i32
      %parallel_loop3A_142 = arith.constant 16 : i32
      %parallel_loop3A_143 = arith.muli %parallel_loop3A_137, %parallel_loop3A_142 : i32
      %parallel_loop3A_144 = arith.constant 8192 : i32
      %parallel_loop3A_145 = arith.addi %parallel_loop3A_144, %parallel_loop3A_143 : i32
      %parallel_loop3A_146 = arith.index_cast %parallel_loop3A_141 : i32 to index
      %parallel_loop3A_147 = tpu.vector_load %arg33[%parallel_loop3A_146] {strides = array<i32>} : memref<4096xf32, #tpu.memory_space<vmem>>, vector<16xf32>,
      %parallel_loop3A_148 = arith.index_cast %parallel_loop3A_141 : i32 to index
      %parallel_loop3A_149 = tpu.vector_load %arg32[%parallel_loop3A_148] {strides = array<i32>} : memref<4096xf32, #tpu.memory_space<vmem>>, vector<16xf32>,
      %parallel_loop3A_150 = arith.subf %parallel_loop3A_147, %parallel_loop3A_149 : vector<16xf32>
      %parallel_loop3A_151 = arith.constant 0.000000e+00 : f32
      %parallel_loop3A_152 = vector.broadcast %parallel_loop3A_151 : f32 to vector<16xf32>
      %parallel_loop3A_153 = arith.maximumf %parallel_loop3A_150, %parallel_loop3A_152 : vector<16xf32>
      %parallel_loop3A_154 = arith.index_cast %parallel_loop3A_145 : i32 to index
      %parallel_loop3A_155 = tpu.vector_load %arg34[%parallel_loop3A_154] {strides = array<i32>} : memref<16384xf32, #tpu.memory_space<vmem>>, vector<16xf32>,
      tpu.vector_store %arg34[%parallel_loop3A_154], %parallel_loop3A_153 {strides = array<i32>} : memref<16384xf32, #tpu.memory_space<vmem>>, vector<16xf32>,
      %parallel_loop3A_156 = arith.index_cast %parallel_loop3A_145 : i32 to index
      %parallel_loop3A_157 = tpu.vector_load %arg16[%parallel_loop3A_156] {strides = array<i32>} : memref<16384xf32, #tpu.memory_space<vmem>>, vector<16xf32>,
      tpu.vector_store %arg16[%parallel_loop3A_156], %parallel_loop3A_139 {strides = array<i32>} : memref<16384xf32, #tpu.memory_space<vmem>>, vector<16xf32>,
      %parallel_loop3A_158 = arith.index_cast %parallel_loop3A_145 : i32 to index
      %parallel_loop3A_159 = tpu.vector_load %arg14[%parallel_loop3A_158] {strides = array<i32>} : memref<16384xf32, #tpu.memory_space<vmem>>, vector<16xf32>,
      tpu.vector_store %arg14[%parallel_loop3A_158], %parallel_loop3A_139 {strides = array<i32>} : memref<16384xf32, #tpu.memory_space<vmem>>, vector<16xf32>,
      %parallel_loop3A_160 = arith.index_cast %parallel_loop3A_145 : i32 to index
      %parallel_loop3A_161 = tpu.vector_load %arg15[%parallel_loop3A_160] {strides = array<i32>} : memref<16384xf32, #tpu.memory_space<vmem>>, vector<16xf32>,
      tpu.vector_store %arg15[%parallel_loop3A_160], %parallel_loop3A_139 {strides = array<i32>} : memref<16384xf32, #tpu.memory_space<vmem>>, vector<16xf32>,
    } {sc.loop_unroll_factor = 8 : i64, sc.parallel_access}
    %dma_start3A_63 = arith.constant 12288 : i32
    %dma_start3A_64 = tpu.memref_slice %arg9[%dma_start3A_63] : memref<16384xf32, #tpu.memory_space<hbm>> -> memref<4096xf32, #tpu.memory_space<hbm>>
    %dma_start3A_65 = arith.constant 12288 : i32
    %dma_start3A_66 = tpu.memref_slice %arg9[%dma_start3A_65] : memref<16384xf32, #tpu.memory_space<hbm>> -> memref<4096xf32, #tpu.memory_space<hbm>>
    tpu.enqueue_dma source(%dma_start3A_66 : memref<4096xf32, #tpu.memory_space<hbm>>) target(%arg33 : memref<4096xf32, #tpu.memory_space<vmem>>) target_semaphore(%arg30 : memref<!tpu.dma_semaphore, #tpu.memory_space<semaphore_mem>>)
    %dma_start3A_67 = arith.constant 12288 : i32
    %dma_start3A_68 = tpu.memref_slice %arg10[%dma_start3A_67] : memref<16384xf32, #tpu.memory_space<hbm>> -> memref<4096xf32, #tpu.memory_space<hbm>>
    %dma_start3A_69 = arith.constant 12288 : i32
    %dma_start3A_70 = tpu.memref_slice %arg10[%dma_start3A_69] : memref<16384xf32, #tpu.memory_space<hbm>> -> memref<4096xf32, #tpu.memory_space<hbm>>
    tpu.enqueue_dma source(%dma_start3A_70 : memref<4096xf32, #tpu.memory_space<hbm>>) target(%arg32 : memref<4096xf32, #tpu.memory_space<vmem>>) target_semaphore(%arg31 : memref<!tpu.dma_semaphore, #tpu.memory_space<semaphore_mem>>)
    %dma_wait3A_71 = arith.constant 12288 : i32
    %dma_wait3A_72 = tpu.memref_slice %arg9[%dma_wait3A_71] : memref<16384xf32, #tpu.memory_space<hbm>> -> memref<4096xf32, #tpu.memory_space<hbm>>
    %dma_wait3A_73 = arith.constant 12288 : i32
    %dma_wait3A_74 = tpu.memref_slice %arg9[%dma_wait3A_73] : memref<16384xf32, #tpu.memory_space<hbm>> -> memref<4096xf32, #tpu.memory_space<hbm>>
    tpu.wait_dma2 semaphore(%arg30 : memref<!tpu.dma_semaphore, #tpu.memory_space<semaphore_mem>>) src(%dma_wait3A_74 : memref<4096xf32, #tpu.memory_space<hbm>>) dst(%arg33 : memref<4096xf32, #tpu.memory_space<vmem>>)
    %dma_wait3A_75 = arith.constant 12288 : i32
    %dma_wait3A_76 = tpu.memref_slice %arg10[%dma_wait3A_75] : memref<16384xf32, #tpu.memory_space<hbm>> -> memref<4096xf32, #tpu.memory_space<hbm>>
    %dma_wait3A_77 = arith.constant 12288 : i32
    %dma_wait3A_78 = tpu.memref_slice %arg10[%dma_wait3A_77] : memref<16384xf32, #tpu.memory_space<hbm>> -> memref<4096xf32, #tpu.memory_space<hbm>>
    tpu.wait_dma2 semaphore(%arg31 : memref<!tpu.dma_semaphore, #tpu.memory_space<semaphore_mem>>) src(%dma_wait3A_78 : memref<4096xf32, #tpu.memory_space<hbm>>) dst(%arg32 : memref<4096xf32, #tpu.memory_space<vmem>>)
    %parallel_loop3A_79 = arith.constant 0 : i32
    %parallel_loop3A_80 = arith.constant 256 : i32
    %parallel_loop3A_81 = arith.constant 1 : i32
    scf.for %parallel_loop3A_137 = %parallel_loop3A_79 to %parallel_loop3A_80 step %parallel_loop3A_81  : i32 {
      %parallel_loop3A_138 = arith.constant 0.000000e+00 : f32
      %parallel_loop3A_139 = vector.broadcast %parallel_loop3A_138 : f32 to vector<16xf32>
      %parallel_loop3A_140 = arith.constant 16 : i32
      %parallel_loop3A_141 = arith.muli %parallel_loop3A_137, %parallel_loop3A_140 : i32
      %parallel_loop3A_142 = arith.constant 16 : i32
      %parallel_loop3A_143 = arith.muli %parallel_loop3A_137, %parallel_loop3A_142 : i32
      %parallel_loop3A_144 = arith.constant 12288 : i32
      %parallel_loop3A_145 = arith.addi %parallel_loop3A_144, %parallel_loop3A_143 : i32
      %parallel_loop3A_146 = arith.index_cast %parallel_loop3A_141 : i32 to index
      %parallel_loop3A_147 = tpu.vector_load %arg33[%parallel_loop3A_146] {strides = array<i32>} : memref<4096xf32, #tpu.memory_space<vmem>>, vector<16xf32>,
      %parallel_loop3A_148 = arith.index_cast %parallel_loop3A_141 : i32 to index
      %parallel_loop3A_149 = tpu.vector_load %arg32[%parallel_loop3A_148] {strides = array<i32>} : memref<4096xf32, #tpu.memory_space<vmem>>, vector<16xf32>,
      %parallel_loop3A_150 = arith.subf %parallel_loop3A_147, %parallel_loop3A_149 : vector<16xf32>
      %parallel_loop3A_151 = arith.constant 0.000000e+00 : f32
      %parallel_loop3A_152 = vector.broadcast %parallel_loop3A_151 : f32 to vector<16xf32>
      %parallel_loop3A_153 = arith.maximumf %parallel_loop3A_150, %parallel_loop3A_152 : vector<16xf32>
      %parallel_loop3A_154 = arith.index_cast %parallel_loop3A_145 : i32 to index
      %parallel_loop3A_155 = tpu.vector_load %arg34[%parallel_loop3A_154] {strides = array<i32>} : memref<16384xf32, #tpu.memory_space<vmem>>, vector<16xf32>,
      tpu.vector_store %arg34[%parallel_loop3A_154], %parallel_loop3A_153 {strides = array<i32>} : memref<16384xf32, #tpu.memory_space<vmem>>, vector<16xf32>,
      %parallel_loop3A_156 = arith.index_cast %parallel_loop3A_145 : i32 to index
      %parallel_loop3A_157 = tpu.vector_load %arg16[%parallel_loop3A_156] {strides = array<i32>} : memref<16384xf32, #tpu.memory_space<vmem>>, vector<16xf32>,
      tpu.vector_store %arg16[%parallel_loop3A_156], %parallel_loop3A_139 {strides = array<i32>} : memref<16384xf32, #tpu.memory_space<vmem>>, vector<16xf32>,
      %parallel_loop3A_158 = arith.index_cast %parallel_loop3A_145 : i32 to index
      %parallel_loop3A_159 = tpu.vector_load %arg14[%parallel_loop3A_158] {strides = array<i32>} : memref<16384xf32, #tpu.memory_space<vmem>>, vector<16xf32>,
      tpu.vector_store %arg14[%parallel_loop3A_158], %parallel_loop3A_139 {strides = array<i32>} : memref<16384xf32, #tpu.memory_space<vmem>>, vector<16xf32>,
      %parallel_loop3A_160 = arith.index_cast %parallel_loop3A_145 : i32 to index
      %parallel_loop3A_161 = tpu.vector_load %arg15[%parallel_loop3A_160] {strides = array<i32>} : memref<16384xf32, #tpu.memory_space<vmem>>, vector<16xf32>,
      tpu.vector_store %arg15[%parallel_loop3A_160], %parallel_loop3A_139 {strides = array<i32>} : memref<16384xf32, #tpu.memory_space<vmem>>, vector<16xf32>,
    } {sc.loop_unroll_factor = 8 : i64, sc.parallel_access}
    tpu.wait_dma2 semaphore(%arg29 : memref<!tpu.dma_semaphore, #tpu.memory_space<semaphore_mem>>) src(%arg8 : memref<16384xf32, #tpu.memory_space<hbm>>) dst(%arg35 : memref<16384xf32, #tpu.memory_space<vmem>>)
    %scan3A = arith.constant 0 : i32
    %scan3A_82 = arith.constant 0 : i32
    %scan3A_83 = arith.constant 10 : i32
    %scan3A_84 = arith.addi %scan3A_82, %scan3A_83 : i32
    %scan3A_85 = arith.constant 1 : i32
    %scan3A_86 = scf.for %scan3A_137 = %scan3A_82 to %scan3A_84 step %scan3A_85 iter_args(%scan3A_138 = %scan3A) -> (i32)  : i32 {
      %mul3A_139 = arith.constant 2 : i32
      %mul3A_140 = arith.muli %mul3A_139, %scan3A_137 : i32
      %mul3A_141 = arith.constant 4096 : i32
      %mul3A_142 = arith.muli %mul3A_140, %mul3A_141 : i32
      %add3A_143 = arith.addi %mul3A_2, %mul3A_142 : i32
      %dma_wait3A_144 = arith.constant 0 : i32
      %dma_wait3A_145 = tpu.memref_slice %arg3[%dma_wait3A_144] : memref<2621440xi32, #tpu.memory_space<hbm>> -> memref<4096xi32, #tpu.memory_space<hbm>>
      %dma_wait3A_146 = arith.constant 0 : i32
      %dma_wait3A_147 = tpu.memref_slice %arg3[%dma_wait3A_146] : memref<2621440xi32, #tpu.memory_space<hbm>> -> memref<4096xi32, #tpu.memory_space<hbm>>
      tpu.wait_dma2 semaphore(%arg27 : memref<!tpu.dma_semaphore, #tpu.memory_space<semaphore_mem>>) src(%dma_wait3A_147 : memref<4096xi32, #tpu.memory_space<hbm>>) dst(%arg21 : memref<4096xi32, #tpu.memory_space<vmem>>)
      %dma_wait3A_148 = arith.constant 0 : i32
      %dma_wait3A_149 = tpu.memref_slice %arg4[%dma_wait3A_148] : memref<2621440xi32, #tpu.memory_space<hbm>> -> memref<4096xi32, #tpu.memory_space<hbm>>
      %dma_wait3A_150 = arith.constant 0 : i32
      %dma_wait3A_151 = tpu.memref_slice %arg4[%dma_wait3A_150] : memref<2621440xi32, #tpu.memory_space<hbm>> -> memref<4096xi32, #tpu.memory_space<hbm>>
      tpu.wait_dma2 semaphore(%arg23 : memref<!tpu.dma_semaphore, #tpu.memory_space<semaphore_mem>>) src(%dma_wait3A_151 : memref<4096xi32, #tpu.memory_space<hbm>>) dst(%arg17 : memref<4096xi32, #tpu.memory_space<vmem>>)
      %dma_wait3A_152 = arith.constant 0 : i32
      %dma_wait3A_153 = tpu.memref_slice %arg2[%dma_wait3A_152] : memref<2621440xf32, #tpu.memory_space<hbm>> -> memref<4096xf32, #tpu.memory_space<hbm>>
      %dma_wait3A_154 = arith.constant 0 : i32
      %dma_wait3A_155 = tpu.memref_slice %arg2[%dma_wait3A_154] : memref<2621440xf32, #tpu.memory_space<hbm>> -> memref<4096xf32, #tpu.memory_space<hbm>>
      tpu.wait_dma2 semaphore(%arg25 : memref<!tpu.dma_semaphore, #tpu.memory_space<semaphore_mem>>) src(%dma_wait3A_155 : memref<4096xf32, #tpu.memory_space<hbm>>) dst(%arg19 : memref<4096xf32, #tpu.memory_space<vmem>>)
      %add3A_156 = arith.constant 4096 : i32
      %add3A_157 = arith.addi %add3A_143, %add3A_156 : i32
      %dma_start3A_158 = tpu.memref_slice %arg3[%add3A_157] : memref<2621440xi32, #tpu.memory_space<hbm>> -> memref<4096xi32, #tpu.memory_space<hbm>>
      %dma_start3A_159 = tpu.memref_slice %arg3[%add3A_157] : memref<2621440xi32, #tpu.memory_space<hbm>> -> memref<4096xi32, #tpu.memory_space<hbm>>
      tpu.enqueue_dma source(%dma_start3A_159 : memref<4096xi32, #tpu.memory_space<hbm>>) target(%arg22 : memref<4096xi32, #tpu.memory_space<vmem>>) target_semaphore(%arg28 : memref<!tpu.dma_semaphore, #tpu.memory_space<semaphore_mem>>)
      %dma_start3A_160 = tpu.memref_slice %arg4[%add3A_157] : memref<2621440xi32, #tpu.memory_space<hbm>> -> memref<4096xi32, #tpu.memory_space<hbm>>
      %dma_start3A_161 = tpu.memref_slice %arg4[%add3A_157] : memref<2621440xi32, #tpu.memory_space<hbm>> -> memref<4096xi32, #tpu.memory_space<hbm>>
      tpu.enqueue_dma source(%dma_start3A_161 : memref<4096xi32, #tpu.memory_space<hbm>>) target(%arg18 : memref<4096xi32, #tpu.memory_space<vmem>>) target_semaphore(%arg24 : memref<!tpu.dma_semaphore, #tpu.memory_space<semaphore_mem>>)
      %dma_start3A_162 = tpu.memref_slice %arg2[%add3A_157] : memref<2621440xf32, #tpu.memory_space<hbm>> -> memref<4096xf32, #tpu.memory_space<hbm>>
      %dma_start3A_163 = tpu.memref_slice %arg2[%add3A_157] : memref<2621440xf32, #tpu.memory_space<hbm>> -> memref<4096xf32, #tpu.memory_space<hbm>>
      tpu.enqueue_dma source(%dma_start3A_163 : memref<4096xf32, #tpu.memory_space<hbm>>) target(%arg20 : memref<4096xf32, #tpu.memory_space<vmem>>) target_semaphore(%arg26 : memref<!tpu.dma_semaphore, #tpu.memory_space<semaphore_mem>>)
      %parallel_loop3A_164 = arith.constant 0 : i32
      %parallel_loop3A_165 = arith.constant 256 : i32
      %parallel_loop3A_166 = arith.constant 1 : i32
      scf.for %parallel_loop3A_189 = %parallel_loop3A_164 to %parallel_loop3A_165 step %parallel_loop3A_166  : i32 {
        %parallel_loop3A_190 = arith.constant 16 : i32
        %parallel_loop3A_191 = arith.muli %parallel_loop3A_189, %parallel_loop3A_190 : i32
        %parallel_loop3A_192 = arith.index_cast %parallel_loop3A_191 : i32 to index
        %parallel_loop3A_193 = tpu.vector_load %arg19[%parallel_loop3A_192] {strides = array<i32>} : memref<4096xf32, #tpu.memory_space<vmem>>, vector<16xf32>,
        %parallel_loop3A_194 = arith.index_cast %parallel_loop3A_191 : i32 to index
        %parallel_loop3A_195 = tpu.vector_load %arg17[%parallel_loop3A_194] {strides = array<i32>} : memref<4096xi32, #tpu.memory_space<vmem>>, vector<16xi32>,
        %parallel_loop3A_196 = tpu.vector_load_idx %arg35[%parallel_loop3A_195] : memref<16384xf32, #tpu.memory_space<vmem>>[vector<16xi32>], vector<16xf32>,
        %parallel_loop3A_197 = arith.mulf %parallel_loop3A_193, %parallel_loop3A_196 : vector<16xf32>
        %parallel_loop3A_198 = arith.index_cast %parallel_loop3A_191 : i32 to index
        %parallel_loop3A_199 = tpu.vector_load %arg21[%parallel_loop3A_198] {strides = array<i32>} : memref<4096xi32, #tpu.memory_space<vmem>>, vector<16xi32>,
        tpu.vector_store_idx %arg16[%parallel_loop3A_199], %parallel_loop3A_197 {add = true} : memref<16384xf32, #tpu.memory_space<vmem>>[vector<16xi32>], vector<16xf32>,
      } {sc.loop_unroll_factor = 16 : i64, sc.parallel_access}
      %dma_wait3A_167 = arith.constant 0 : i32
      %dma_wait3A_168 = tpu.memref_slice %arg3[%dma_wait3A_167] : memref<2621440xi32, #tpu.memory_space<hbm>> -> memref<4096xi32, #tpu.memory_space<hbm>>
      %dma_wait3A_169 = arith.constant 0 : i32
      %dma_wait3A_170 = tpu.memref_slice %arg3[%dma_wait3A_169] : memref<2621440xi32, #tpu.memory_space<hbm>> -> memref<4096xi32, #tpu.memory_space<hbm>>
      tpu.wait_dma2 semaphore(%arg28 : memref<!tpu.dma_semaphore, #tpu.memory_space<semaphore_mem>>) src(%dma_wait3A_170 : memref<4096xi32, #tpu.memory_space<hbm>>) dst(%arg22 : memref<4096xi32, #tpu.memory_space<vmem>>)
      %dma_wait3A_171 = arith.constant 0 : i32
      %dma_wait3A_172 = tpu.memref_slice %arg4[%dma_wait3A_171] : memref<2621440xi32, #tpu.memory_space<hbm>> -> memref<4096xi32, #tpu.memory_space<hbm>>
      %dma_wait3A_173 = arith.constant 0 : i32
      %dma_wait3A_174 = tpu.memref_slice %arg4[%dma_wait3A_173] : memref<2621440xi32, #tpu.memory_space<hbm>> -> memref<4096xi32, #tpu.memory_space<hbm>>
      tpu.wait_dma2 semaphore(%arg24 : memref<!tpu.dma_semaphore, #tpu.memory_space<semaphore_mem>>) src(%dma_wait3A_174 : memref<4096xi32, #tpu.memory_space<hbm>>) dst(%arg18 : memref<4096xi32, #tpu.memory_space<vmem>>)
      %dma_wait3A_175 = arith.constant 0 : i32
      %dma_wait3A_176 = tpu.memref_slice %arg2[%dma_wait3A_175] : memref<2621440xf32, #tpu.memory_space<hbm>> -> memref<4096xf32, #tpu.memory_space<hbm>>
      %dma_wait3A_177 = arith.constant 0 : i32
      %dma_wait3A_178 = tpu.memref_slice %arg2[%dma_wait3A_177] : memref<2621440xf32, #tpu.memory_space<hbm>> -> memref<4096xf32, #tpu.memory_space<hbm>>
      tpu.wait_dma2 semaphore(%arg26 : memref<!tpu.dma_semaphore, #tpu.memory_space<semaphore_mem>>) src(%dma_wait3A_178 : memref<4096xf32, #tpu.memory_space<hbm>>) dst(%arg20 : memref<4096xf32, #tpu.memory_space<vmem>>)
      %mul3A_179 = arith.constant 2 : i32
      %mul3A_180 = arith.muli %mul3A_179, %scan3A_137 : i32
      %add3A_181 = arith.constant 2 : i32
      %add3A_182 = arith.addi %mul3A_180, %add3A_181 : i32
      %lt3A = arith.constant 20 : i32
      %lt3A_183 = arith.cmpi slt, %add3A_182, %lt3A : i32
      %convert_element_type3A = arith.extui %lt3A_183 : i1 to i32
      %cond3A = arith.constant 0 : i32
      %cond3A_184 = arith.cmpi ne, %convert_element_type3A, %cond3A : i32
      scf.if %cond3A_184 {
        %add3A_189 = arith.constant 8192 : i32
        %add3A_190 = arith.addi %add3A_143, %add3A_189 : i32
        %dma_start3A_191 = tpu.memref_slice %arg3[%add3A_190] : memref<2621440xi32, #tpu.memory_space<hbm>> -> memref<4096xi32, #tpu.memory_space<hbm>>
        %dma_start3A_192 = tpu.memref_slice %arg3[%add3A_190] : memref<2621440xi32, #tpu.memory_space<hbm>> -> memref<4096xi32, #tpu.memory_space<hbm>>
        tpu.enqueue_dma source(%dma_start3A_192 : memref<4096xi32, #tpu.memory_space<hbm>>) target(%arg21 : memref<4096xi32, #tpu.memory_space<vmem>>) target_semaphore(%arg27 : memref<!tpu.dma_semaphore, #tpu.memory_space<semaphore_mem>>)
        %dma_start3A_193 = tpu.memref_slice %arg4[%add3A_190] : memref<2621440xi32, #tpu.memory_space<hbm>> -> memref<4096xi32, #tpu.memory_space<hbm>>
        %dma_start3A_194 = tpu.memref_slice %arg4[%add3A_190] : memref<2621440xi32, #tpu.memory_space<hbm>> -> memref<4096xi32, #tpu.memory_space<hbm>>
        tpu.enqueue_dma source(%dma_start3A_194 : memref<4096xi32, #tpu.memory_space<hbm>>) target(%arg17 : memref<4096xi32, #tpu.memory_space<vmem>>) target_semaphore(%arg23 : memref<!tpu.dma_semaphore, #tpu.memory_space<semaphore_mem>>)
        %dma_start3A_195 = tpu.memref_slice %arg2[%add3A_190] : memref<2621440xf32, #tpu.memory_space<hbm>> -> memref<4096xf32, #tpu.memory_space<hbm>>
        %dma_start3A_196 = tpu.memref_slice %arg2[%add3A_190] : memref<2621440xf32, #tpu.memory_space<hbm>> -> memref<4096xf32, #tpu.memory_space<hbm>>
        tpu.enqueue_dma source(%dma_start3A_196 : memref<4096xf32, #tpu.memory_space<hbm>>) target(%arg19 : memref<4096xf32, #tpu.memory_space<vmem>>) target_semaphore(%arg25 : memref<!tpu.dma_semaphore, #tpu.memory_space<semaphore_mem>>)
      } else {
      }
      %parallel_loop3A_185 = arith.constant 0 : i32
      %parallel_loop3A_186 = arith.constant 256 : i32
      %parallel_loop3A_187 = arith.constant 1 : i32
      scf.for %parallel_loop3A_189 = %parallel_loop3A_185 to %parallel_loop3A_186 step %parallel_loop3A_187  : i32 {
        %parallel_loop3A_190 = arith.constant 16 : i32
        %parallel_loop3A_191 = arith.muli %parallel_loop3A_189, %parallel_loop3A_190 : i32
        %parallel_loop3A_192 = arith.index_cast %parallel_loop3A_191 : i32 to index
        %parallel_loop3A_193 = tpu.vector_load %arg20[%parallel_loop3A_192] {strides = array<i32>} : memref<4096xf32, #tpu.memory_space<vmem>>, vector<16xf32>,
        %parallel_loop3A_194 = arith.index_cast %parallel_loop3A_191 : i32 to index
        %parallel_loop3A_195 = tpu.vector_load %arg18[%parallel_loop3A_194] {strides = array<i32>} : memref<4096xi32, #tpu.memory_space<vmem>>, vector<16xi32>,
        %parallel_loop3A_196 = tpu.vector_load_idx %arg35[%parallel_loop3A_195] : memref<16384xf32, #tpu.memory_space<vmem>>[vector<16xi32>], vector<16xf32>,
        %parallel_loop3A_197 = arith.mulf %parallel_loop3A_193, %parallel_loop3A_196 : vector<16xf32>
        %parallel_loop3A_198 = arith.index_cast %parallel_loop3A_191 : i32 to index
        %parallel_loop3A_199 = tpu.vector_load %arg22[%parallel_loop3A_198] {strides = array<i32>} : memref<4096xi32, #tpu.memory_space<vmem>>, vector<16xi32>,
        tpu.vector_store_idx %arg16[%parallel_loop3A_199], %parallel_loop3A_197 {add = true} : memref<16384xf32, #tpu.memory_space<vmem>>[vector<16xi32>], vector<16xf32>,
      } {sc.loop_unroll_factor = 16 : i64, sc.parallel_access}
      %scan3A_188 = arith.constant 0 : i32
      scf.yield %scan3A_188 : i32
    }
    %scan3A_87 = arith.constant 10 : i32
    %dma_start3A_88 = tpu.memref_slice %arg6[%mul3A_2] : memref<2621440xi32, #tpu.memory_space<hbm>> -> memref<4096xi32, #tpu.memory_space<hbm>>
    %dma_start3A_89 = tpu.memref_slice %arg6[%mul3A_2] : memref<2621440xi32, #tpu.memory_space<hbm>> -> memref<4096xi32, #tpu.memory_space<hbm>>
    tpu.enqueue_dma source(%dma_start3A_89 : memref<4096xi32, #tpu.memory_space<hbm>>) target(%arg21 : memref<4096xi32, #tpu.memory_space<vmem>>) target_semaphore(%arg27 : memref<!tpu.dma_semaphore, #tpu.memory_space<semaphore_mem>>)
    %dma_start3A_90 = tpu.memref_slice %arg7[%mul3A_2] : memref<2621440xi32, #tpu.memory_space<hbm>> -> memref<4096xi32, #tpu.memory_space<hbm>>
    %dma_start3A_91 = tpu.memref_slice %arg7[%mul3A_2] : memref<2621440xi32, #tpu.memory_space<hbm>> -> memref<4096xi32, #tpu.memory_space<hbm>>
    tpu.enqueue_dma source(%dma_start3A_91 : memref<4096xi32, #tpu.memory_space<hbm>>) target(%arg17 : memref<4096xi32, #tpu.memory_space<vmem>>) target_semaphore(%arg23 : memref<!tpu.dma_semaphore, #tpu.memory_space<semaphore_mem>>)
    %dma_start3A_92 = tpu.memref_slice %arg5[%mul3A_2] : memref<2621440xf32, #tpu.memory_space<hbm>> -> memref<4096xf32, #tpu.memory_space<hbm>>
    %dma_start3A_93 = tpu.memref_slice %arg5[%mul3A_2] : memref<2621440xf32, #tpu.memory_space<hbm>> -> memref<4096xf32, #tpu.memory_space<hbm>>
    tpu.enqueue_dma source(%dma_start3A_93 : memref<4096xf32, #tpu.memory_space<hbm>>) target(%arg19 : memref<4096xf32, #tpu.memory_space<vmem>>) target_semaphore(%arg25 : memref<!tpu.dma_semaphore, #tpu.memory_space<semaphore_mem>>)
    %scan3A_94 = arith.constant 0 : i32
    %scan3A_95 = arith.constant 0 : i32
    %scan3A_96 = arith.constant 10 : i32
    %scan3A_97 = arith.addi %scan3A_95, %scan3A_96 : i32
    %scan3A_98 = arith.constant 1 : i32
    %scan3A_99 = scf.for %scan3A_137 = %scan3A_95 to %scan3A_97 step %scan3A_98 iter_args(%scan3A_138 = %scan3A_94) -> (i32)  : i32 {
      %mul3A_139 = arith.constant 2 : i32
      %mul3A_140 = arith.muli %mul3A_139, %scan3A_137 : i32
      %mul3A_141 = arith.constant 4096 : i32
      %mul3A_142 = arith.muli %mul3A_140, %mul3A_141 : i32
      %add3A_143 = arith.addi %mul3A_2, %mul3A_142 : i32
      %dma_wait3A_144 = arith.constant 0 : i32
      %dma_wait3A_145 = tpu.memref_slice %arg6[%dma_wait3A_144] : memref<2621440xi32, #tpu.memory_space<hbm>> -> memref<4096xi32, #tpu.memory_space<hbm>>
      %dma_wait3A_146 = arith.constant 0 : i32
      %dma_wait3A_147 = tpu.memref_slice %arg6[%dma_wait3A_146] : memref<2621440xi32, #tpu.memory_space<hbm>> -> memref<4096xi32, #tpu.memory_space<hbm>>
      tpu.wait_dma2 semaphore(%arg27 : memref<!tpu.dma_semaphore, #tpu.memory_space<semaphore_mem>>) src(%dma_wait3A_147 : memref<4096xi32, #tpu.memory_space<hbm>>) dst(%arg21 : memref<4096xi32, #tpu.memory_space<vmem>>)
      %dma_wait3A_148 = arith.constant 0 : i32
      %dma_wait3A_149 = tpu.memref_slice %arg7[%dma_wait3A_148] : memref<2621440xi32, #tpu.memory_space<hbm>> -> memref<4096xi32, #tpu.memory_space<hbm>>
      %dma_wait3A_150 = arith.constant 0 : i32
      %dma_wait3A_151 = tpu.memref_slice %arg7[%dma_wait3A_150] : memref<2621440xi32, #tpu.memory_space<hbm>> -> memref<4096xi32, #tpu.memory_space<hbm>>
      tpu.wait_dma2 semaphore(%arg23 : memref<!tpu.dma_semaphore, #tpu.memory_space<semaphore_mem>>) src(%dma_wait3A_151 : memref<4096xi32, #tpu.memory_space<hbm>>) dst(%arg17 : memref<4096xi32, #tpu.memory_space<vmem>>)
      %dma_wait3A_152 = arith.constant 0 : i32
      %dma_wait3A_153 = tpu.memref_slice %arg5[%dma_wait3A_152] : memref<2621440xf32, #tpu.memory_space<hbm>> -> memref<4096xf32, #tpu.memory_space<hbm>>
      %dma_wait3A_154 = arith.constant 0 : i32
      %dma_wait3A_155 = tpu.memref_slice %arg5[%dma_wait3A_154] : memref<2621440xf32, #tpu.memory_space<hbm>> -> memref<4096xf32, #tpu.memory_space<hbm>>
      tpu.wait_dma2 semaphore(%arg25 : memref<!tpu.dma_semaphore, #tpu.memory_space<semaphore_mem>>) src(%dma_wait3A_155 : memref<4096xf32, #tpu.memory_space<hbm>>) dst(%arg19 : memref<4096xf32, #tpu.memory_space<vmem>>)
      %add3A_156 = arith.constant 4096 : i32
      %add3A_157 = arith.addi %add3A_143, %add3A_156 : i32
      %dma_start3A_158 = tpu.memref_slice %arg6[%add3A_157] : memref<2621440xi32, #tpu.memory_space<hbm>> -> memref<4096xi32, #tpu.memory_space<hbm>>
      %dma_start3A_159 = tpu.memref_slice %arg6[%add3A_157] : memref<2621440xi32, #tpu.memory_space<hbm>> -> memref<4096xi32, #tpu.memory_space<hbm>>
      tpu.enqueue_dma source(%dma_start3A_159 : memref<4096xi32, #tpu.memory_space<hbm>>) target(%arg22 : memref<4096xi32, #tpu.memory_space<vmem>>) target_semaphore(%arg28 : memref<!tpu.dma_semaphore, #tpu.memory_space<semaphore_mem>>)
      %dma_start3A_160 = tpu.memref_slice %arg7[%add3A_157] : memref<2621440xi32, #tpu.memory_space<hbm>> -> memref<4096xi32, #tpu.memory_space<hbm>>
      %dma_start3A_161 = tpu.memref_slice %arg7[%add3A_157] : memref<2621440xi32, #tpu.memory_space<hbm>> -> memref<4096xi32, #tpu.memory_space<hbm>>
      tpu.enqueue_dma source(%dma_start3A_161 : memref<4096xi32, #tpu.memory_space<hbm>>) target(%arg18 : memref<4096xi32, #tpu.memory_space<vmem>>) target_semaphore(%arg24 : memref<!tpu.dma_semaphore, #tpu.memory_space<semaphore_mem>>)
      %dma_start3A_162 = tpu.memref_slice %arg5[%add3A_157] : memref<2621440xf32, #tpu.memory_space<hbm>> -> memref<4096xf32, #tpu.memory_space<hbm>>
      %dma_start3A_163 = tpu.memref_slice %arg5[%add3A_157] : memref<2621440xf32, #tpu.memory_space<hbm>> -> memref<4096xf32, #tpu.memory_space<hbm>>
      tpu.enqueue_dma source(%dma_start3A_163 : memref<4096xf32, #tpu.memory_space<hbm>>) target(%arg20 : memref<4096xf32, #tpu.memory_space<vmem>>) target_semaphore(%arg26 : memref<!tpu.dma_semaphore, #tpu.memory_space<semaphore_mem>>)
      %parallel_loop3A_164 = arith.constant 0 : i32
      %parallel_loop3A_165 = arith.constant 256 : i32
      %parallel_loop3A_166 = arith.constant 1 : i32
      scf.for %parallel_loop3A_189 = %parallel_loop3A_164 to %parallel_loop3A_165 step %parallel_loop3A_166  : i32 {
        %parallel_loop3A_190 = arith.constant 16 : i32
        %parallel_loop3A_191 = arith.muli %parallel_loop3A_189, %parallel_loop3A_190 : i32
        %parallel_loop3A_192 = arith.index_cast %parallel_loop3A_191 : i32 to index
        %parallel_loop3A_193 = tpu.vector_load %arg21[%parallel_loop3A_192] {strides = array<i32>} : memref<4096xi32, #tpu.memory_space<vmem>>, vector<16xi32>,
        %parallel_loop3A_194 = arith.index_cast %parallel_loop3A_191 : i32 to index
        %parallel_loop3A_195 = tpu.vector_load %arg17[%parallel_loop3A_194] {strides = array<i32>} : memref<4096xi32, #tpu.memory_space<vmem>>, vector<16xi32>,
        %parallel_loop3A_196 = arith.index_cast %parallel_loop3A_191 : i32 to index
        %parallel_loop3A_197 = tpu.vector_load %arg19[%parallel_loop3A_196] {strides = array<i32>} : memref<4096xf32, #tpu.memory_space<vmem>>, vector<16xf32>,
        %parallel_loop3A_198 = tpu.vector_load_idx %arg35[%parallel_loop3A_195] : memref<16384xf32, #tpu.memory_space<vmem>>[vector<16xi32>], vector<16xf32>,
        %parallel_loop3A_199 = arith.mulf %parallel_loop3A_197, %parallel_loop3A_198 : vector<16xf32>
        tpu.vector_store_idx %arg15[%parallel_loop3A_193], %parallel_loop3A_199 {add = true} : memref<16384xf32, #tpu.memory_space<vmem>>[vector<16xi32>], vector<16xf32>,
        %parallel_loop3A_200 = tpu.vector_load_idx %arg34[%parallel_loop3A_193] : memref<16384xf32, #tpu.memory_space<vmem>>[vector<16xi32>], vector<16xf32>,
        %parallel_loop3A_201 = arith.mulf %parallel_loop3A_197, %parallel_loop3A_200 : vector<16xf32>
        %parallel_loop3A_202 = arith.constant 0.000000e+00 : f32
        %parallel_loop3A_203 = vector.broadcast %parallel_loop3A_202 : f32 to vector<16xf32>
        %parallel_loop3A_204 = arith.cmpf ogt, %parallel_loop3A_200, %parallel_loop3A_203 : vector<16xf32>
        tpu.vector_store_idx %arg14[%parallel_loop3A_195], %parallel_loop3A_201 masked %parallel_loop3A_204 {add = true} : memref<16384xf32, #tpu.memory_space<vmem>>[vector<16xi32>], vector<16xf32>, vector<16xi1>
      } {sc.loop_unroll_factor = 16 : i64, sc.parallel_access}
      %dma_wait3A_167 = arith.constant 0 : i32
      %dma_wait3A_168 = tpu.memref_slice %arg6[%dma_wait3A_167] : memref<2621440xi32, #tpu.memory_space<hbm>> -> memref<4096xi32, #tpu.memory_space<hbm>>
      %dma_wait3A_169 = arith.constant 0 : i32
      %dma_wait3A_170 = tpu.memref_slice %arg6[%dma_wait3A_169] : memref<2621440xi32, #tpu.memory_space<hbm>> -> memref<4096xi32, #tpu.memory_space<hbm>>
      tpu.wait_dma2 semaphore(%arg28 : memref<!tpu.dma_semaphore, #tpu.memory_space<semaphore_mem>>) src(%dma_wait3A_170 : memref<4096xi32, #tpu.memory_space<hbm>>) dst(%arg22 : memref<4096xi32, #tpu.memory_space<vmem>>)
      %dma_wait3A_171 = arith.constant 0 : i32
      %dma_wait3A_172 = tpu.memref_slice %arg7[%dma_wait3A_171] : memref<2621440xi32, #tpu.memory_space<hbm>> -> memref<4096xi32, #tpu.memory_space<hbm>>
      %dma_wait3A_173 = arith.constant 0 : i32
      %dma_wait3A_174 = tpu.memref_slice %arg7[%dma_wait3A_173] : memref<2621440xi32, #tpu.memory_space<hbm>> -> memref<4096xi32, #tpu.memory_space<hbm>>
      tpu.wait_dma2 semaphore(%arg24 : memref<!tpu.dma_semaphore, #tpu.memory_space<semaphore_mem>>) src(%dma_wait3A_174 : memref<4096xi32, #tpu.memory_space<hbm>>) dst(%arg18 : memref<4096xi32, #tpu.memory_space<vmem>>)
      %dma_wait3A_175 = arith.constant 0 : i32
      %dma_wait3A_176 = tpu.memref_slice %arg5[%dma_wait3A_175] : memref<2621440xf32, #tpu.memory_space<hbm>> -> memref<4096xf32, #tpu.memory_space<hbm>>
      %dma_wait3A_177 = arith.constant 0 : i32
      %dma_wait3A_178 = tpu.memref_slice %arg5[%dma_wait3A_177] : memref<2621440xf32, #tpu.memory_space<hbm>> -> memref<4096xf32, #tpu.memory_space<hbm>>
      tpu.wait_dma2 semaphore(%arg26 : memref<!tpu.dma_semaphore, #tpu.memory_space<semaphore_mem>>) src(%dma_wait3A_178 : memref<4096xf32, #tpu.memory_space<hbm>>) dst(%arg20 : memref<4096xf32, #tpu.memory_space<vmem>>)
      %mul3A_179 = arith.constant 2 : i32
      %mul3A_180 = arith.muli %mul3A_179, %scan3A_137 : i32
      %add3A_181 = arith.constant 2 : i32
      %add3A_182 = arith.addi %mul3A_180, %add3A_181 : i32
      %lt3A = arith.constant 20 : i32
      %lt3A_183 = arith.cmpi slt, %add3A_182, %lt3A : i32
      %convert_element_type3A = arith.extui %lt3A_183 : i1 to i32
      %cond3A = arith.constant 0 : i32
      %cond3A_184 = arith.cmpi ne, %convert_element_type3A, %cond3A : i32
      scf.if %cond3A_184 {
        %add3A_189 = arith.constant 8192 : i32
        %add3A_190 = arith.addi %add3A_143, %add3A_189 : i32
        %dma_start3A_191 = tpu.memref_slice %arg6[%add3A_190] : memref<2621440xi32, #tpu.memory_space<hbm>> -> memref<4096xi32, #tpu.memory_space<hbm>>
        %dma_start3A_192 = tpu.memref_slice %arg6[%add3A_190] : memref<2621440xi32, #tpu.memory_space<hbm>> -> memref<4096xi32, #tpu.memory_space<hbm>>
        tpu.enqueue_dma source(%dma_start3A_192 : memref<4096xi32, #tpu.memory_space<hbm>>) target(%arg21 : memref<4096xi32, #tpu.memory_space<vmem>>) target_semaphore(%arg27 : memref<!tpu.dma_semaphore, #tpu.memory_space<semaphore_mem>>)
        %dma_start3A_193 = tpu.memref_slice %arg7[%add3A_190] : memref<2621440xi32, #tpu.memory_space<hbm>> -> memref<4096xi32, #tpu.memory_space<hbm>>
        %dma_start3A_194 = tpu.memref_slice %arg7[%add3A_190] : memref<2621440xi32, #tpu.memory_space<hbm>> -> memref<4096xi32, #tpu.memory_space<hbm>>
        tpu.enqueue_dma source(%dma_start3A_194 : memref<4096xi32, #tpu.memory_space<hbm>>) target(%arg17 : memref<4096xi32, #tpu.memory_space<vmem>>) target_semaphore(%arg23 : memref<!tpu.dma_semaphore, #tpu.memory_space<semaphore_mem>>)
        %dma_start3A_195 = tpu.memref_slice %arg5[%add3A_190] : memref<2621440xf32, #tpu.memory_space<hbm>> -> memref<4096xf32, #tpu.memory_space<hbm>>
        %dma_start3A_196 = tpu.memref_slice %arg5[%add3A_190] : memref<2621440xf32, #tpu.memory_space<hbm>> -> memref<4096xf32, #tpu.memory_space<hbm>>
        tpu.enqueue_dma source(%dma_start3A_196 : memref<4096xf32, #tpu.memory_space<hbm>>) target(%arg19 : memref<4096xf32, #tpu.memory_space<vmem>>) target_semaphore(%arg25 : memref<!tpu.dma_semaphore, #tpu.memory_space<semaphore_mem>>)
      } else {
      }
      %parallel_loop3A_185 = arith.constant 0 : i32
      %parallel_loop3A_186 = arith.constant 256 : i32
      %parallel_loop3A_187 = arith.constant 1 : i32
      scf.for %parallel_loop3A_189 = %parallel_loop3A_185 to %parallel_loop3A_186 step %parallel_loop3A_187  : i32 {
        %parallel_loop3A_190 = arith.constant 16 : i32
        %parallel_loop3A_191 = arith.muli %parallel_loop3A_189, %parallel_loop3A_190 : i32
        %parallel_loop3A_192 = arith.index_cast %parallel_loop3A_191 : i32 to index
        %parallel_loop3A_193 = tpu.vector_load %arg22[%parallel_loop3A_192] {strides = array<i32>} : memref<4096xi32, #tpu.memory_space<vmem>>, vector<16xi32>,
        %parallel_loop3A_194 = arith.index_cast %parallel_loop3A_191 : i32 to index
        %parallel_loop3A_195 = tpu.vector_load %arg18[%parallel_loop3A_194] {strides = array<i32>} : memref<4096xi32, #tpu.memory_space<vmem>>, vector<16xi32>,
        %parallel_loop3A_196 = arith.index_cast %parallel_loop3A_191 : i32 to index
        %parallel_loop3A_197 = tpu.vector_load %arg20[%parallel_loop3A_196] {strides = array<i32>} : memref<4096xf32, #tpu.memory_space<vmem>>, vector<16xf32>,
        %parallel_loop3A_198 = tpu.vector_load_idx %arg35[%parallel_loop3A_195] : memref<16384xf32, #tpu.memory_space<vmem>>[vector<16xi32>], vector<16xf32>,
        %parallel_loop3A_199 = arith.mulf %parallel_loop3A_197, %parallel_loop3A_198 : vector<16xf32>
        tpu.vector_store_idx %arg15[%parallel_loop3A_193], %parallel_loop3A_199 {add = true} : memref<16384xf32, #tpu.memory_space<vmem>>[vector<16xi32>], vector<16xf32>,
        %parallel_loop3A_200 = tpu.vector_load_idx %arg34[%parallel_loop3A_193] : memref<16384xf32, #tpu.memory_space<vmem>>[vector<16xi32>], vector<16xf32>,
        %parallel_loop3A_201 = arith.mulf %parallel_loop3A_197, %parallel_loop3A_200 : vector<16xf32>
        %parallel_loop3A_202 = arith.constant 0.000000e+00 : f32
        %parallel_loop3A_203 = vector.broadcast %parallel_loop3A_202 : f32 to vector<16xf32>
        %parallel_loop3A_204 = arith.cmpf ogt, %parallel_loop3A_200, %parallel_loop3A_203 : vector<16xf32>
        tpu.vector_store_idx %arg14[%parallel_loop3A_195], %parallel_loop3A_201 masked %parallel_loop3A_204 {add = true} : memref<16384xf32, #tpu.memory_space<vmem>>[vector<16xi32>], vector<16xf32>, vector<16xi1>
      } {sc.loop_unroll_factor = 16 : i64, sc.parallel_access}
      %scan3A_188 = arith.constant 0 : i32
      scf.yield %scan3A_188 : i32
    }
    %scan3A_100 = arith.constant 10 : i32
    %dma_start3A_101 = arith.constant 0 : i32
    %dma_start3A_102 = tpu.memref_slice %arg11[%add3A, %dma_start3A_101] : memref<32x16384xf32, #tpu.memory_space<hbm>> -> memref<1x16384xf32, #tpu.memory_space<hbm>>
    %dma_start3A_103 = tpu.memref_squeeze %dma_start3A_102 : memref<1x16384xf32, #tpu.memory_space<hbm>> -> memref<16384xf32, #tpu.memory_space<hbm>>
    %dma_start3A_104 = arith.constant 0 : i32
    %dma_start3A_105 = tpu.memref_slice %arg11[%add3A, %dma_start3A_104] : memref<32x16384xf32, #tpu.memory_space<hbm>> -> memref<1x16384xf32, #tpu.memory_space<hbm>>
    %dma_start3A_106 = tpu.memref_squeeze %dma_start3A_105 : memref<1x16384xf32, #tpu.memory_space<hbm>> -> memref<16384xf32, #tpu.memory_space<hbm>>
    tpu.enqueue_dma source(%arg16 : memref<16384xf32, #tpu.memory_space<vmem>>) target(%dma_start3A_106 : memref<16384xf32, #tpu.memory_space<hbm>>) target_semaphore(%arg29 : memref<!tpu.dma_semaphore, #tpu.memory_space<semaphore_mem>>)
    %dma_start3A_107 = arith.constant 0 : i32
    %dma_start3A_108 = tpu.memref_slice %arg12[%add3A, %dma_start3A_107] : memref<32x16384xf32, #tpu.memory_space<hbm>> -> memref<1x16384xf32, #tpu.memory_space<hbm>>
    %dma_start3A_109 = tpu.memref_squeeze %dma_start3A_108 : memref<1x16384xf32, #tpu.memory_space<hbm>> -> memref<16384xf32, #tpu.memory_space<hbm>>
    %dma_start3A_110 = arith.constant 0 : i32
    %dma_start3A_111 = tpu.memref_slice %arg12[%add3A, %dma_start3A_110] : memref<32x16384xf32, #tpu.memory_space<hbm>> -> memref<1x16384xf32, #tpu.memory_space<hbm>>
    %dma_start3A_112 = tpu.memref_squeeze %dma_start3A_111 : memref<1x16384xf32, #tpu.memory_space<hbm>> -> memref<16384xf32, #tpu.memory_space<hbm>>
    tpu.enqueue_dma source(%arg14 : memref<16384xf32, #tpu.memory_space<vmem>>) target(%dma_start3A_112 : memref<16384xf32, #tpu.memory_space<hbm>>) target_semaphore(%arg30 : memref<!tpu.dma_semaphore, #tpu.memory_space<semaphore_mem>>)
    %dma_start3A_113 = arith.constant 0 : i32
    %dma_start3A_114 = tpu.memref_slice %arg13[%add3A, %dma_start3A_113] : memref<32x16384xf32, #tpu.memory_space<hbm>> -> memref<1x16384xf32, #tpu.memory_space<hbm>>
    %dma_start3A_115 = tpu.memref_squeeze %dma_start3A_114 : memref<1x16384xf32, #tpu.memory_space<hbm>> -> memref<16384xf32, #tpu.memory_space<hbm>>
    %dma_start3A_116 = arith.constant 0 : i32
    %dma_start3A_117 = tpu.memref_slice %arg13[%add3A, %dma_start3A_116] : memref<32x16384xf32, #tpu.memory_space<hbm>> -> memref<1x16384xf32, #tpu.memory_space<hbm>>
    %dma_start3A_118 = tpu.memref_squeeze %dma_start3A_117 : memref<1x16384xf32, #tpu.memory_space<hbm>> -> memref<16384xf32, #tpu.memory_space<hbm>>
    tpu.enqueue_dma source(%arg15 : memref<16384xf32, #tpu.memory_space<vmem>>) target(%dma_start3A_118 : memref<16384xf32, #tpu.memory_space<hbm>>) target_semaphore(%arg31 : memref<!tpu.dma_semaphore, #tpu.memory_space<semaphore_mem>>)
    %dma_wait3A_119 = arith.constant 0 : i32
    %dma_wait3A_120 = tpu.memref_slice %arg11[%add3A, %dma_wait3A_119] : memref<32x16384xf32, #tpu.memory_space<hbm>> -> memref<1x16384xf32, #tpu.memory_space<hbm>>
    %dma_wait3A_121 = tpu.memref_squeeze %dma_wait3A_120 : memref<1x16384xf32, #tpu.memory_space<hbm>> -> memref<16384xf32, #tpu.memory_space<hbm>>
    %dma_wait3A_122 = arith.constant 0 : i32
    %dma_wait3A_123 = tpu.memref_slice %arg11[%add3A, %dma_wait3A_122] : memref<32x16384xf32, #tpu.memory_space<hbm>> -> memref<1x16384xf32, #tpu.memory_space<hbm>>
    %dma_wait3A_124 = tpu.memref_squeeze %dma_wait3A_123 : memref<1x16384xf32, #tpu.memory_space<hbm>> -> memref<16384xf32, #tpu.memory_space<hbm>>
    tpu.wait_dma2 semaphore(%arg29 : memref<!tpu.dma_semaphore, #tpu.memory_space<semaphore_mem>>) src(%arg16 : memref<16384xf32, #tpu.memory_space<vmem>>) dst(%dma_wait3A_124 : memref<16384xf32, #tpu.memory_space<hbm>>)
    %dma_wait3A_125 = arith.constant 0 : i32
    %dma_wait3A_126 = tpu.memref_slice %arg12[%add3A, %dma_wait3A_125] : memref<32x16384xf32, #tpu.memory_space<hbm>> -> memref<1x16384xf32, #tpu.memory_space<hbm>>
    %dma_wait3A_127 = tpu.memref_squeeze %dma_wait3A_126 : memref<1x16384xf32, #tpu.memory_space<hbm>> -> memref<16384xf32, #tpu.memory_space<hbm>>
    %dma_wait3A_128 = arith.constant 0 : i32
    %dma_wait3A_129 = tpu.memref_slice %arg12[%add3A, %dma_wait3A_128] : memref<32x16384xf32, #tpu.memory_space<hbm>> -> memref<1x16384xf32, #tpu.memory_space<hbm>>
    %dma_wait3A_130 = tpu.memref_squeeze %dma_wait3A_129 : memref<1x16384xf32, #tpu.memory_space<hbm>> -> memref<16384xf32, #tpu.memory_space<hbm>>
    tpu.wait_dma2 semaphore(%arg30 : memref<!tpu.dma_semaphore, #tpu.memory_space<semaphore_mem>>) src(%arg14 : memref<16384xf32, #tpu.memory_space<vmem>>) dst(%dma_wait3A_130 : memref<16384xf32, #tpu.memory_space<hbm>>)
    %dma_wait3A_131 = arith.constant 0 : i32
    %dma_wait3A_132 = tpu.memref_slice %arg13[%add3A, %dma_wait3A_131] : memref<32x16384xf32, #tpu.memory_space<hbm>> -> memref<1x16384xf32, #tpu.memory_space<hbm>>
    %dma_wait3A_133 = tpu.memref_squeeze %dma_wait3A_132 : memref<1x16384xf32, #tpu.memory_space<hbm>> -> memref<16384xf32, #tpu.memory_space<hbm>>
    %dma_wait3A_134 = arith.constant 0 : i32
    %dma_wait3A_135 = tpu.memref_slice %arg13[%add3A, %dma_wait3A_134] : memref<32x16384xf32, #tpu.memory_space<hbm>> -> memref<1x16384xf32, #tpu.memory_space<hbm>>
    %dma_wait3A_136 = tpu.memref_squeeze %dma_wait3A_135 : memref<1x16384xf32, #tpu.memory_space<hbm>> -> memref<16384xf32, #tpu.memory_space<hbm>>
    tpu.wait_dma2 semaphore(%arg31 : memref<!tpu.dma_semaphore, #tpu.memory_space<semaphore_mem>>) src(%arg15 : memref<16384xf32, #tpu.memory_space<vmem>>) dst(%dma_wait3A_136 : memref<16384xf32, #tpu.memory_space<hbm>>)
    return
  }
}

module attributes {stable_mosaic.version = 14 : i64} {
  func.func @body(%arg0: memref<32x16384xf32, #tpu.memory_space<vmem>>, %arg1: memref<32x16384xf32, #tpu.memory_space<vmem>>, %arg2: memref<32x16384xf32, #tpu.memory_space<vmem>>, %arg3: memref<1x16384xf32, #tpu.memory_space<vmem>>, %arg4: memref<1x16384xf32, #tpu.memory_space<vmem>>, %arg5: memref<1x16384xf32, #tpu.memory_space<vmem>>, %arg6: memref<1x16384xf32, #tpu.memory_space<vmem>>, %arg7: memref<1x16384xf32, #tpu.memory_space<vmem>>, %arg8: memref<1x32769xf32, #tpu.memory_space<vmem>>) attributes {dimension_semantics = [], scalar_prefetch = 0 : i64, scratch_operands = 0 : i64, tpu.core_type = #tpu.core_type<tc>} {
    %get3A = arith.constant 0 : index
    %get3A_0 = arith.constant 0 : index
    %get3A_1 = vector.load %arg0[%get3A, %get3A_0] : memref<32x16384xf32, #tpu.memory_space<vmem>>, vector<32x16384xf32>
    %reduce_sum3A = arith.constant dense<0.000000e+00> : vector<16384xf32>
    %reduce_sum3A_2 = vector.multi_reduction <add>, %get3A_1, %reduce_sum3A [0] : vector<32x16384xf32> to vector<16384xf32>
    %broadcast_in_dim3A = vector.shape_cast %reduce_sum3A_2 : vector<16384xf32> to vector<1x16384xf32>
    %get3A_3 = arith.constant 0 : index
    %get3A_4 = arith.constant 0 : index
    %get3A_5 = vector.load %arg1[%get3A_3, %get3A_4] : memref<32x16384xf32, #tpu.memory_space<vmem>>, vector<32x16384xf32>
    %reduce_sum3A_6 = arith.constant dense<0.000000e+00> : vector<16384xf32>
    %reduce_sum3A_7 = vector.multi_reduction <add>, %get3A_5, %reduce_sum3A_6 [0] : vector<32x16384xf32> to vector<16384xf32>
    %broadcast_in_dim3A_8 = vector.shape_cast %reduce_sum3A_7 : vector<16384xf32> to vector<1x16384xf32>
    %get3A_9 = arith.constant 0 : index
    %get3A_10 = arith.constant 0 : index
    %get3A_11 = vector.load %arg2[%get3A_9, %get3A_10] : memref<32x16384xf32, #tpu.memory_space<vmem>>, vector<32x16384xf32>
    %reduce_sum3A_12 = arith.constant dense<0.000000e+00> : vector<16384xf32>
    %reduce_sum3A_13 = vector.multi_reduction <add>, %get3A_11, %reduce_sum3A_12 [0] : vector<32x16384xf32> to vector<16384xf32>
    %broadcast_in_dim3A_14 = vector.shape_cast %reduce_sum3A_13 : vector<16384xf32> to vector<1x16384xf32>
    %get3A_15 = arith.constant 0 : index
    %get3A_16 = arith.constant 0 : index
    %get3A_17 = vector.load %arg3[%get3A_15, %get3A_16] : memref<1x16384xf32, #tpu.memory_space<vmem>>, vector<1x16384xf32>
    %get3A_18 = arith.constant 0 : index
    %get3A_19 = arith.constant 0 : index
    %get3A_20 = vector.load %arg4[%get3A_18, %get3A_19] : memref<1x16384xf32, #tpu.memory_space<vmem>>, vector<1x16384xf32>
    %get3A_21 = arith.constant 0 : index
    %get3A_22 = arith.constant 0 : index
    %get3A_23 = vector.load %arg5[%get3A_21, %get3A_22] : memref<1x16384xf32, #tpu.memory_space<vmem>>, vector<1x16384xf32>
    %get3A_24 = arith.constant 0 : index
    %get3A_25 = arith.constant 0 : index
    %get3A_26 = vector.load %arg6[%get3A_24, %get3A_25] : memref<1x16384xf32, #tpu.memory_space<vmem>>, vector<1x16384xf32>
    %get3A_27 = arith.constant 0 : index
    %get3A_28 = arith.constant 0 : index
    %get3A_29 = vector.load %arg7[%get3A_27, %get3A_28] : memref<1x16384xf32, #tpu.memory_space<vmem>>, vector<1x16384xf32>
    %sub3A = arith.subf %get3A_26, %get3A_29 : vector<1x16384xf32>
    %max3A = arith.constant 0.000000e+00 : f32
    %max3A_30 = vector.broadcast %max3A : f32 to vector<1x16384xf32>
    %max3A_31 = arith.maximumf %sub3A, %max3A_30 : vector<1x16384xf32>
    %add3A = arith.addf %broadcast_in_dim3A, %broadcast_in_dim3A_8 : vector<1x16384xf32>
    %add3A_32 = arith.addf %add3A, %get3A_17 : vector<1x16384xf32>
    %swap3A = arith.constant 0 : index
    %swap3A_33 = arith.constant 0 : index
    %swap3A_34 = vector.load %arg8[%swap3A, %swap3A_33] : memref<1x32769xf32, #tpu.memory_space<vmem>>, vector<1x16384xf32>
    tpu.vector_store %arg8[%swap3A, %swap3A_33], %add3A_32 {strides = array<i32>} : memref<1x32769xf32, #tpu.memory_space<vmem>>, vector<1x16384xf32>,
    %sub3A_35 = arith.subf %get3A_20, %broadcast_in_dim3A_14 : vector<1x16384xf32>
    %swap3A_36 = arith.constant 0 : index
    %swap3A_37 = arith.constant 16384 : index
    %swap3A_38 = vector.load %arg8[%swap3A_36, %swap3A_37] : memref<1x32769xf32, #tpu.memory_space<vmem>>, vector<1x16384xf32>
    tpu.vector_store %arg8[%swap3A_36, %swap3A_37], %sub3A_35 {strides = array<i32>} : memref<1x32769xf32, #tpu.memory_space<vmem>>, vector<1x16384xf32>,
    %mul3A = arith.mulf %get3A_23, %broadcast_in_dim3A : vector<1x16384xf32>
    %reduce_sum3A_39 = vector.shape_cast %mul3A : vector<1x16384xf32> to vector<1x1x16384xf32>
    %reduce_sum3A_40 = arith.constant dense<0.000000e+00> : vector<1xf32>
    %reduce_sum3A_41 = vector.multi_reduction <add>, %reduce_sum3A_39, %reduce_sum3A_40 [1, 2] : vector<1x1x16384xf32> to vector<1xf32>
    %reduce_sum3A_42 = vector.shape_cast %reduce_sum3A_41 : vector<1xf32> to vector<1x1x1xf32>
    %reduce_sum3A_43 = vector.extract %reduce_sum3A_42[0, 0, 0] : f32 from vector<1x1x1xf32>
    %mul3A_44 = arith.mulf %get3A_17, %get3A_23 : vector<1x16384xf32>
    %reduce_sum3A_45 = vector.shape_cast %mul3A_44 : vector<1x16384xf32> to vector<1x1x16384xf32>
    %reduce_sum3A_46 = arith.constant dense<0.000000e+00> : vector<1xf32>
    %reduce_sum3A_47 = vector.multi_reduction <add>, %reduce_sum3A_45, %reduce_sum3A_46 [1, 2] : vector<1x1x16384xf32> to vector<1xf32>
    %reduce_sum3A_48 = vector.shape_cast %reduce_sum3A_47 : vector<1xf32> to vector<1x1x1xf32>
    %reduce_sum3A_49 = vector.extract %reduce_sum3A_48[0, 0, 0] : f32 from vector<1x1x1xf32>
    %mul3A_50 = arith.mulf %get3A_20, %max3A_31 : vector<1x16384xf32>
    %reduce_sum3A_51 = vector.shape_cast %mul3A_50 : vector<1x16384xf32> to vector<1x1x16384xf32>
    %reduce_sum3A_52 = arith.constant dense<0.000000e+00> : vector<1xf32>
    %reduce_sum3A_53 = vector.multi_reduction <add>, %reduce_sum3A_51, %reduce_sum3A_52 [1, 2] : vector<1x1x16384xf32> to vector<1xf32>
    %reduce_sum3A_54 = vector.shape_cast %reduce_sum3A_53 : vector<1xf32> to vector<1x1x1xf32>
    %reduce_sum3A_55 = vector.extract %reduce_sum3A_54[0, 0, 0] : f32 from vector<1x1x1xf32>
    %add3A_56 = arith.addf %reduce_sum3A_49, %reduce_sum3A_43 : f32
    %neg3A = arith.constant 0.000000e+00 : f32
    %neg3A_57 = arith.subf %neg3A, %add3A_56 : f32
    %sub3A_58 = arith.subf %neg3A_57, %reduce_sum3A_55 : f32
    %mul3A_59 = arith.constant 5.000000e-01 : f32
    %mul3A_60 = arith.mulf %mul3A_59, %reduce_sum3A_43 : f32
    %add3A_61 = arith.addf %sub3A_58, %mul3A_60 : f32
    %reshape3A = vector.broadcast %add3A_61 : f32 to vector<1x1xf32>
    %swap3A_62 = arith.constant 0 : index
    %swap3A_63 = arith.constant 32768 : index
    %swap3A_64 = vector.load %arg8[%swap3A_62, %swap3A_63] : memref<1x32769xf32, #tpu.memory_space<vmem>>, vector<1x1xf32>
    tpu.vector_store %arg8[%swap3A_62, %swap3A_63], %reshape3A {strides = array<i32>} : memref<1x32769xf32, #tpu.memory_space<vmem>>, vector<1x1xf32>,
    return
  }
}

</mosaic_0001>

<sc_bundles>
// kernel: kernel.4.cloned.1.call-start
scs
__scs_entry_jumppad:
0x0: {  	(pc) =	sbr.rel $0x88, $3  }
0x1: {  	(tag) =	ssettag $0x0;
	lr =	simm.s32 $0x1  }
0x2: {  	[smem:$0x3F96] =	sst lr;
	_ =	strace $0xD0000000  }
0x3: {  	_ = 	snop  }
0x4: {  	_ = 	snop  }
0x5: {  	_ = 	snop  }
0x6: {  	_ = 	snop  }
0x7: {  	_ = 	snop  }
__scs_overlays_trampoline_lowered:
0x8: {  	[smem:$0x3FA5] =	sst s0  }
0x9: {  	[smem:$0x3FA6] =	sst s1  }
0xa: {  	[smem:$0x3FA7] =	sst s2  }
0xb: {  	[smem:$0x3FA8] =	sst s3  }
0xc: {  	[smem:$0x3FA9] =	sst s4  }
0xd: {  	[smem:$0x3FAA] =	sst s5  }
0xe: {  	[smem:$0x3FAB] =	sst s6  }
0xf: {  	[smem:$0x3FAC] =	sst s7  }
0x10: {  	[smem:$0x3FAD] =	sst s8  }
0x11: {  	[smem:$0x3FAE] =	sst s9;
	s0 =	simm.s32 @!p0 $0x0  }
0x12: {  	s1 =	sld [smem:$0x3F94];
	s0 =	simm.s32 @p0 $0x1  }
0x13: {  	[smem:$0x3FAF] =	sst s0;
	s0 =	simm.s32 @!p1 $0x0  }
0x14: {  	s2 =	sld [smem:$0x3F93];
	s0 =	simm.s32 @p1 $0x1  }
0x15: {  	[smem:$0x3FB0] =	sst s0;
	s0 =	simm.s32 @!p2 $0x0  }
0x16: {  	s3 =	sld [smem:$0x3FDB];
	s0 =	simm.s32 @p2 $0x1  }
0x17: {  	s4 =	simm.s32 $0x1BF5;
	[smem:$0x3FB2] =	sst s0  }
0x18: {  	s0 =	sld [smem:$0x3F95];
	_ =	swait.ge [sflag:s4], $0x0  }
0x19: {  	s7 =	sld [smem:$0x3F96]  }
0x1a: {  	s8 =	sadd.s32 $0xFFFFE003, lr  }
0x1b: {  	s9 =	sadd.s32 $0xFFFFFEF7, lr;
	s5 =	simm.s32 $0xFFFFFFFF;
	p2 =	slt.u32 s8, $0xFFFFF086  }
0x1c: {  	p1 =	slt.u32 s9, $0xF7A;
	s5 =	simm.s32 @!p2 $0x0  }
0x1d: {  	s5 =	simm.s32 @p1 $0x1;
	p0 =	seq.s32 s7, s2  }
0x1e: {  	s7 =	smul.u32 @!p0 $0xF7A, s2;
	p2 =	seq.s32 @!p0 s5, $0x0  }
0x1f: {  	s9 =	smul.u32 $0xF7A, s1;
	s8 =	simm.s32 @!p0 $0x1BF5;
	p2 =	por !p2, p0  }
0x20: {  	[sflag:s8] =	ssyncset.s32 @!p0 $0xFFFFF086;
	s6 =	sadd.s32 @!p0 s3, s7;
	s7 =	simm.s32 @!p0 $0x108  }
0x21: {  	s3 =	sadd.s32 s3, s9;
	s6 =	sadd.s32 @!p0 $0x88, s6;
	s7 =	simm.s32 @p2 $0x1082  }
0x22: {  	[simem:s7], [sflag:s8] =	dma.local @!p0 [hbm:s6], $0xF7A  }
0x23: {  	s9 =	sor.u32 $0xD0000000, s2;
	s6 =	simm.s32 $0x108;
	_ =	swait.ge @!p0 [sflag:s8], $0x0  }
0x24: {  	s3 =	sadd.s32 $0x88, s3;
	s6 =	simm.s32 @!p1 $0x1082;
	[sflag:s4] =	ssyncset.s32 $0xFFFFF086  }
0x25: {  	[simem:s6], [sflag:s4] =	dma.local [hbm:s3], $0xF7A  }
0x26: {  	[smem:$0x3F96] =	sst s1;
	(tag) =	ssettag s2;
	_ =	strace s9  }
0x27: {  	s1 =	sld [smem:$0x3FA6]  }
0x28: {  	s2 =	sld [smem:$0x3FA7]  }
0x29: {  	s4 =	sld [smem:$0x3FA9]  }
0x2a: {  	p0 =	seq.s32 s5, $0x0;
	s5 =	sld [smem:$0x3FAA]  }
0x2b: {  	s6 =	sld [smem:$0x3FAB]  }
0x2c: {  	s7 =	sld [smem:$0x3FAC]  }
0x2d: {  	s3 =	simm.s32 $0x108;
	s8 =	sld [smem:$0x3FAD]  }
0x2e: {  	s3 =	simm.s32 @!p0 $0x1082;
	s9 =	sld [smem:$0x3FAE]  }
0x2f: {  	lr =	sadd.s32 s0, s3;
	s0 =	sld [smem:$0x3FA5]  }
0x30: {  	s3 =	sld [smem:$0x3FA8]  }
0x31: {  	[smem:$0x3FB1] =	sst s10  }
0x32: {  	s10 =	sld [smem:$0x3FAF];
	_ =	sdelay $0x3  }
0x33: {  	p0 =	seq.s32 s10, $0x1;
	s10 =	sld [smem:$0x3FB1];
	_ =	sdelay $0x3  }
0x34: {  	[smem:$0x3FB1] =	sst s10  }
0x35: {  	s10 =	sld [smem:$0x3FB0];
	_ =	sdelay $0x3  }
0x36: {  	p1 =	seq.s32 s10, $0x1;
	s10 =	sld [smem:$0x3FB1];
	_ =	sdelay $0x3  }
0x37: {  	[smem:$0x3FB1] =	sst s10  }
0x38: {  	s10 =	sld [smem:$0x3FB2]  }
0x39: {  	_ = 	snop;
	(pc) =	sbr.ind lr, $3  }
0x3a: {  	_ = 	snop  }
0x3b: {  	_ = 	snop  }
0x3c: {  	p2 =	seq.s32 s10, $0x1;
	s10 =	sld [smem:$0x3FB1]  }
0x3d: {  	_ =	shalt  }
0x3e: {  	_ =	shalt  }
0x3f: {  	_ =	shalt  }
0x40: {  	_ =	shalt  }
0x41: {  	_ =	shalt  }
0x42: {  	_ =	shalt  }
0x43: {  	_ =	shalt  }
0x44: {  	_ =	shalt  }
0x45: {  	_ =	shalt  }
0x46: {  	_ =	shalt  }
0x47: {  	_ =	shalt  }
0x48: {  	_ =	shalt  }
0x49: {  	_ =	shalt  }
0x4a: {  	_ =	shalt  }
0x4b: {  	_ =	shalt  }
0x4c: {  	_ =	shalt  }
0x4d: {  	_ =	shalt  }
0x4e: {  	_ =	shalt  }
0x4f: {  	_ =	shalt  }
0x50: {  	_ =	shalt  }
0x51: {  	_ =	shalt  }
0x52: {  	_ =	shalt  }
0x53: {  	_ =	shalt  }
0x54: {  	_ =	shalt  }
0x55: {  	_ =	shalt  }
0x56: {  	_ =	shalt  }
0x57: {  	_ =	shalt  }
0x58: {  	_ =	shalt  }
0x59: {  	_ =	shalt  }
0x5a: {  	_ =	shalt  }
0x5b: {  	_ =	shalt  }
0x5c: {  	_ =	shalt  }
0x5d: {  	_ =	shalt  }
0x5e: {  	_ =	shalt  }
0x5f: {  	_ =	shalt  }
0x60: {  	_ =	shalt  }
0x61: {  	_ =	shalt  }
0x62: {  	_ =	shalt  }
0x63: {  	_ =	shalt  }
0x64: {  	_ =	shalt  }
0x65: {  	_ =	shalt  }
0x66: {  	_ =	shalt  }
0x67: {  	_ =	shalt  }
0x68: {  	_ =	shalt  }
0x69: {  	_ =	shalt  }
0x6a: {  	_ =	shalt  }
0x6b: {  	_ =	shalt  }
0x6c: {  	_ =	shalt  }
0x6d: {  	_ =	shalt  }
0x6e: {  	_ =	shalt  }
0x6f: {  	_ =	shalt  }
0x70: {  	_ =	shalt  }
0x71: {  	_ =	shalt  }
0x72: {  	_ =	shalt  }
0x73: {  	_ =	shalt  }
0x74: {  	_ =	shalt  }
0x75: {  	_ =	shalt  }
0x76: {  	_ =	shalt  }
0x77: {  	_ =	shalt  }
0x78: {  	_ =	shalt  }
0x79: {  	_ =	shalt  }
0x7a: {  	_ =	shalt  }
0x7b: {  	_ =	shalt  }
0x7c: {  	_ =	shalt  }
0x7d: {  	_ =	shalt  }
0x7e: {  	_ =	shalt  }
0x7f: {  	_ =	shalt  }
0x80: {  	_ =	shalt  }
0x81: {  	_ =	shalt  }
0x82: {  	_ =	shalt  }
0x83: {  	_ =	shalt  }
0x84: {  	_ =	shalt  }
0x85: {  	_ =	shalt  }
0x86: {  	_ =	shalt  }
0x87: {  	_ =	shalt  }
.Lfunc_end0:
.L_simem_size_0:
called_computation_lowered:
.L_overlay_start_0:
0x88: {  	s2 =	sld [smem:$0x3FD9]  }
0x89: {  	s3 =	sld [smem:$0x3FFE];
	_ =	sdelay $0x1  }
0x8a: {  	s1 =	srdreg.scid  }
0x8b: {  	s0 =	sand.u32 $0x1, s1  }
0x8c: {  	s17 =	sshll.u32 s0, $0xA;
	s2 =	sadd.s32 s3, s2  }
0x8d: {  	s2 =	sadd.s32 s2, s17  }
0x8e: {  	[smem:$0x3FBD] =	sst s2  }
0x8f: {  	_ = 	snop  }
0x90: {  	s2 =	sld [smem:$0x3FC9]  }
0x91: {  	s18 =	sld [smem:$0x3FC8]  }
0x92: {  	s4 =	sld [smem:$0x3FC5]  }
0x93: {  	s5 =	sld [smem:$0x3FC4]  }
0x94: {  	s6 =	sld [smem:$0x3FC3]  }
0x95: {  	s7 =	sld [smem:$0x3FC2]  }
0x96: {  	s8 =	sld [smem:$0x3FC1]  }
0x97: {  	s9 =	sld [smem:$0x3FC0]  }
0x98: {  	s10 =	sld [smem:$0x3FBF];
	(tm) =	ssettm $0x1  }
0x99: {  	s11 =	sld [smem:$0x3FFB];
	_ =	sdelay $0x3  }
0x9a: {  	_ =	strace s11  }
0x9b: {  	s11 =	sld [smem:$0x3FFC];
	_ =	sdelay $0x3  }
0x9c: {  	_ =	strace s11  }
0x9d: {  	s11 =	sld [smem:$0x3FFD];
	_ =	sdelay $0x3  }
0x9e: {  	_ =	strace s11  }
0x9f: {  	_ =	strace $0x8FFFFFFF  }
0xa0: {  	s19 =	sld [smem:$0x3FDB];
	_ =	sdelay $0x1  }
0xa1: {  	s12 =	simm.s32 $_scs_section_size  }
0xa2: {  	s13 =	simm.s32 $_size__tile_overlayer_lowered;
	s14 =	simm.s32 $_tile_overlayer_lowered  }
0xa3: {  	s22 =	simm.s32 $0x1BFF;
	s21 =	sshll.u32 s14, $0x1;
	s11 =	sadd.s32 s12, s19  }
0xa4: {  	s15 =	simm.s32 $0x0;
	s20 =	sshll.u32 s13, $0x1;
	s13 =	sadd.s32 s21, s11  }
0xa5: {  	[timem:s15], [sflag:s22] =	dma.local [hbm:s13], s20  }
0xa6: {  	_ =	swait.ge [sflag:s22], s20  }
0xa7: {  	s12 =	ssub.s32 $0x0, s20;
	[sflag:s22] =	ssyncset.done $0x0  }
0xa8: {  	[sflag:s22] =	ssyncadd.s32 s12;
	_ =	sdelay $0x1  }
0xa9: {  	s23 =	simm.s32 $0x1B8B  }
0xaa: {  	_ =	swait.ge [sflag:s23], $0x1  }
0xab: {  	[sflag:s23] =	ssyncset.done $0x0  }
0xac: {  	s25 =	simm.s32 $0x1B8E;
	s24 =	sld [smem:$0x3FFE];
	[sflag:s23] =	ssyncadd.s32 $0xFFFFFFFF  }
0xad: {  	s26 =	simm.s32 $execute0_lowered;
	[smem:$0x3FD2] =	sst s25  }
0xae: {  	s13 =	sshll.u32 s26, $0x1;
	_ =	strace $0x80000046;
	[dreg:$0x1] =	wrdreg $0xFFFFFFFF  }
0xaf: {  	s28 =	simm.s32 $_size_execute0_lowered;
	s11 =	sadd.s32 s11, s13;
	[dreg:$0x0] =	wrdreg $0x0  }
0xb0: {  	s13 =	sshll.u32 s28, $0x1;
	[dreg:$0x2] =	wrdreg s11  }
0xb1: {  	[dreg:$0x3] =	wrdreg s13  }
0xb2: {  	[dreg:$0x4] =	wrdreg $0xC0  }
0xb3: {  	_ =	task [dreg:s15], $0x5FFFF  }
0xb4: {  	[dreg:$0x1] =	wrdreg $0xFFFFFFFF  }
0xb5: {  	[dreg:$0x0] =	wrdreg $0x60  }
0xb6: {  	[dreg:$0x2] =	wrdreg s2  }
0xb7: {  	[dreg:$0x3] =	wrdreg s7  }
0xb8: {  	[dreg:$0x4] =	wrdreg s8  }
0xb9: {  	[dreg:$0x5] =	wrdreg s18  }
0xba: {  	[dreg:$0x6] =	wrdreg s9  }
0xbb: {  	[dreg:$0x7] =	wrdreg s10  }
0xbc: {  	[dreg:$0x8] =	wrdreg s4  }
0xbd: {  	[dreg:$0x9] =	wrdreg s5  }
0xbe: {  	[dreg:$0xa] =	wrdreg s6  }
0xbf: {  	[dreg:$0xb] =	wrdreg s24  }
0xc0: {  	[dreg:$0xc] =	wrdreg $0x9  }
0xc1: {  	_ =	task.clear_ibuf [dreg:s15], $0xDFFFF;
	_ =	strace $0x90000046  }
0xc2: {  	s29 =	simm.s32 $0x9;
	_ =	strace $0x80000048  }
0xc3: {  	_ =	swait.ge [sflag:s29], $0x1  }
0xc4: {  	[sflag:s29] =	ssyncadd.s32 $0xFFFFFFFF  }
0xc5: {  	_ =	strace $0x90000048  }
0xc6: {  	_ =	sfence  }
0xc7: {  	s30 =	sld [smem:$0x0];
	_ =	sdelay $0x2  }
0xc8: {  	s31 =	sshll.u32 s1, $0xD;
	s1 =	sshrl.u32 s1, $0x2  }
0xc9: {  	s3 =	sand.u32 $0x4000, s31;
	s1 =	sadd.s32 s1, s30  }
0xca: {  	s0 =	sor.u32 s3, s0;
	s1 =	sshll.u32 s1, $0x11  }
0xcb: {  	s0 =	sor.u32 s1, s0  }
0xcc: {  	s0 =	sadd.s32 $0x8F2B, s0  }
0xcd: {  	[sflag:s0] =	ssyncadd.remote.s32 $0x1  }
0xce: {  	_ =	sfence.sel $0xFFFF  }
0xcf: {  	[dreg:$0x0] =	wrdreg $0xFFFFFFFF;
	(pc) =	sbr.abs _section_cstart, $3  }
0xd0: {  	[dreg:$0x1] =	wrdreg $0xFFFFFFFF  }
0xd1: {  	_ =	task.clear_ibuf [dreg:s15], $0x2FFFF;
	_ =	strace $0x9FFFFFFF  }
0xd2: {  	(tm) =	ssettm $0x7FFFFFFF  }
0xd3: {  	_ =	shalt  }
tec
execute0_lowered:
.L_overlay_start_1:
0x0: {  	(tag) =	ssettag $0x1  }
0x1: {  	s0 =	rddreg [dreg:$0x0]  }
0x2: {  	s1 =	rddreg [dreg:$0x1]  }
0x3: {  	s2 =	rddreg [dreg:$0x2]  }
0x4: {  	s3 =	rddreg [dreg:$0x3]  }
0x5: {  	s4 =	rddreg [dreg:$0x4]  }
0x6: {  	s6 =	rddreg [dreg:$0x5]  }
0x7: {  	s13 =	rddreg [dreg:$0x7]  }
0x8: {  	s14 =	rddreg [dreg:$0x8]  }
0x9: {  	s5 =	rddreg [dreg:$0x9];
	s7 =	srdreg.scid  }
0xa: {  	s11 =	simm.s32 $0x0;
	s10 =	stileid.u32;
	s31 =	simm.s32 $0x10000  }
0xb: {  	s30 =	simm.s32 $0x9;
	[smem:$0x7FF] =	sst s11;
	s17 =	sadd.s32 $0x200, s13  }
0xc: {  	s18 =	sadd.s32 $0x200, s14;
	_ =	strace $0x80000047;
	[dreg:$0xe] =	wrdreg s17  }
0xd: {  	s7 =	sand.u32 $0x1, s7;
	s19 =	sadd.s32 $0x400, s13;
	[dreg:$0xf] =	wrdreg s18  }
0xe: {  	s8 =	sshll.u32 s7, $0x4;
	s7 =	ssub.s32 $0x2, s7;
	[dreg:$0x10] =	wrdreg s19  }
0xf: {  	s17 =	simm.s32 $0xF000;
	s8 =	sor.u32 s10, s8;
	s10 =	sshll.u32 s10, $0x4  }
0x10: {  	s28 =	sshrl.u32 s7, $0x1;
	s9 =	sshll.u32 s8, $0xB;
	s12 =	smul.u32 $0x14000, s8  }
0x11: {  	s7 =	ssub.s32 s7, s28;
	s28 =	sadd.s32 $0x600, s13;
	s26 =	sor.u32 s10, s9  }
0x12: {  	s25 =	smax.u32 s7, $0x1;
	[dreg:$0x19] =	wrdreg s28;
	s8 =	sand.u32 $0xC070, s26  }
0x13: {  	s29 =	sshrl.u32 s12, $0x3;
	[dreg:$0x17] =	wrdreg s25;
	s26 =	sadd.s32 $0x400, s14  }
0x14: {  	s18 =	simm.s32 $0x8000;
	s9 =	sadd.s32 s1, s29;
	[dreg:$0x18] =	wrdreg s26  }
0x15: {  	s19 =	simm.s32 $0x6;
	s15 =	sadd.s32 s2, s29;
	[dreg:$0xb] =	wrdreg s9  }
0x16: {  	s13 =	simm.s32 $0x1;
	s16 =	sadd.s32 s0, s29;
	[dreg:$0xc] =	wrdreg s15  }
0x17: {  	s10 =	simm.s32 $0x18000;
	s20 =	sadd.s32 s4, s29;
	[dreg:$0xd] =	wrdreg s16  }
0x18: {  	s5 =	sadd.s32 s8, s5;
	s21 =	sadd.s32 s6, s29;
	[dreg:$0x11] =	wrdreg s20  }
0x19: {  	s22 =	sadd.s32 s3, s29;
	s29 =	sadd.s32 $0x600, s14;
	[dreg:$0x12] =	wrdreg s21  }
0x1a: {  	s14 =	simm.s32 $0x3;
	s26 =	simm.s32 $0x0;
	[dreg:$0x13] =	wrdreg s22  }
0x1b: {  	s23 =	sadd.s32 $0x1400, s5;
	s24 =	sadd.s32 $0x11400, s5;
	s5 =	sadd.s32 $0x21400, s5  }
0x1c: {  	[dreg:$0x1a] =	wrdreg s29;
	s9 =	simm.s32 $0x8;
	s15 =	simm.s32 $0x11000  }
0x1d: {  	s16 =	simm.s32 $0xD000;
	s20 =	simm.s32 $0x2;
	[dreg:$0x14] =	wrdreg s23  }
0x1e: {  	s21 =	simm.s32 $0x4;
	s22 =	simm.s32 $0x4000;
	[dreg:$0x15] =	wrdreg s24  }
0x1f: {  	v0 =	vimm.f32 $0.0e+00;
	[dreg:$0x16] =	wrdreg s5;
	s5 =	simm.s32 $0x5;
	s23 =	simm.s32 $0x14000  }
.LBB2_1:
0x20: {  	s7 =	rddreg [dreg:$0xb]  }
0x21: {  	[tilespmem:s31], [sflag:$0x5] =	stream.linear.gather [hbm4b:s7+s11], $0x1000, $0x38;
	[tilespmem:$0x1C000] =	vst v63  }
0x22: {  	s25 =	rddreg [dreg:$0xc];
	s8 =	simm.s32 $0xC000  }
0x23: {  	[tilespmem:s8], [sflag:$0x1] =	stream.linear.gather [hbm4b:s25+s11], $0x1000, $0x38;
	[tilespmem:$0x1C000] =	vst v63  }
0x24: {  	s24 =	rddreg [dreg:$0xd];
	s25 =	simm.s32 $0xE000  }
0x25: {  	[tilespmem:s25], [sflag:$0x3] =	stream.linear.gather [hbm4b:s24+s11], $0x1000, $0x38;
	[tilespmem:$0x1C000] =	vst v63  }
0x26: {  	s8 =	rddreg [dreg:$0x6]  }
0x27: {  	[tilespmem:s10], [sflag:$0x7] =	stream.linear.gather [hbm4b:s8+s11], $0x4000, $0x38;
	[tilespmem:$0x1C000] =	vst v63  }
0x28: {  	s24 =	rddreg [dreg:$0x7];
	s25 =	simm.s32 $0x13000  }
0x29: {  	[tilespmem:s25], [sflag:$0x8] =	stream.linear.gather [hbm4b:s24+s11], $0x1000, $0x38;
	[tilespmem:$0x1C000] =	vst v63  }
0x2a: {  	s24 =	rddreg [dreg:$0x8];
	s25 =	simm.s32 $0x12000  }
0x2b: {  	[tilespmem:s25], [sflag:$0x9] =	stream.linear.gather [hbm4b:s24+s11], $0x1000, $0x38;
	[tilespmem:$0x1C000] =	vst v63  }
0x2c: {  	_ =	swait.ge [sflag:s9], $0x1000  }
0x2d: {  	[sflag:s9] =	ssyncset.done $0x0  }
0x2e: {  	[sflag:s9] =	ssyncadd.s32 $0xFFFFF000  }
0x2f: {  	_ =	swait.ge [sflag:s30], $0x1000  }
0x30: {  	[sflag:s30] =	ssyncset.done $0x0  }
0x31: {  	s29 =	simm.s32 $0x13040;
	[sflag:s30] =	ssyncadd.s32 $0xFFFFF000  }
0x32: {  	s8 =	simm.s32 $0x12040;
	v1 =	vld [tilespmem:s29+$0x30]  }
0x33: {  	v2 =	vld [tilespmem:s8+$0x30];
	_ =	sdelay $0x2  }
0x34: {  	v3 =	vld [tilespmem:s29+$0xFFFFFFD0]  }
0x35: {  	v4 =	vld [tilespmem:s8+$0xFFFFFFD0]  }
0x36: {  	v1 =	vsub.f32 v1, v2  }
0x37: {  	v5 =	vld [tilespmem:s8+$0xFFFFFFE0]  }
0x38: {  	s7 =	simm.s32 $0x14040;
	v2 =	vld [tilespmem:s29+$0xFFFFFFE0];
	v1 =	vmax.f32 v1, $0.0e+00  }
0x39: {  	s24 =	simm.s32 $0x8040;
	[tilespmem:s7+$0x30] =	vst v1  }
0x3a: {  	s25 =	simm.s32 $0x40;
	v1 =	vsub.f32 v3, v4;
	[tilespmem:s24+$0x30] =	vst v0  }
0x3b: {  	s28 =	simm.s32 $0x4040;
	[tilespmem:s25+$0x30] =	vst v0  }
0x3c: {  	v60 =	vld [tilespmem:s8+$0xFFFFFFF0];
	v1 =	vmax.f32 v1, $0.0e+00;
	[tilespmem:s28+$0x30] =	vst v0  }
0x3d: {  	v3 =	vld [tilespmem:s29+$0xFFFFFFF0];
	v2 =	vsub.f32 v2, v5;
	[tilespmem:s7+$0xFFFFFFD0] =	vst v1  }
0x3e: {  	[tilespmem:s24+$0xFFFFFFD0] =	vst v0  }
0x3f: {  	v61 =	vld [tilespmem:s29+$0xFFFFFFC0];
	v2 =	vmax.f32 v2, $0.0e+00;
	[tilespmem:s25+$0xFFFFFFD0] =	vst v0  }
0x40: {  	v1 =	vld [tilespmem:s8+$0xFFFFFFC0];
	[tilespmem:s7+$0xFFFFFFE0] =	vst v2  }
0x41: {  	[tilespmem:s28+$0xFFFFFFD0] =	vst v0  }
0x42: {  	v2 =	vsub.f32 v3, v60;
	[tilespmem:s24+$0xFFFFFFE0] =	vst v0  }
0x43: {  	v62 =	vld [tilespmem:s8+$0x0];
	[tilespmem:s25+$0xFFFFFFE0] =	vst v0  }
0x44: {  	v3 =	vld [tilespmem:s29+$0x0];
	v2 =	vmax.f32 v2, $0.0e+00;
	[tilespmem:s28+$0xFFFFFFE0] =	vst v0  }
0x45: {  	v63 =	vld [tilespmem:s29+$0x10];
	v1 =	vsub.f32 v61, v1;
	[tilespmem:s7+$0xFFFFFFF0] =	vst v2  }
0x46: {  	v6 =	vld [tilespmem:s29+$0x20];
	[tilespmem:s24+$0xFFFFFFF0] =	vst v0  }
0x47: {  	v2 =	vld [tilespmem:s8+$0x10];
	v1 =	vmax.f32 v1, $0.0e+00;
	[tilespmem:s25+$0xFFFFFFF0] =	vst v0  }
0x48: {  	[tilespmem:s7+$0xFFFFFFC0] =	vst v1;
	v1 =	vld [tilespmem:s8+$0x20]  }
0x49: {  	v3 =	vsub.f32 v3, v62;
	[tilespmem:s28+$0xFFFFFFF0] =	vst v0  }
0x4a: {  	[tilespmem:s24+$0xFFFFFFC0] =	vst v0  }
0x4b: {  	v3 =	vmax.f32 v3, $0.0e+00;
	[tilespmem:s25+$0xFFFFFFC0] =	vst v0  }
0x4c: {  	[tilespmem:s7+$0x0] =	vst v3  }
0x4d: {  	v2 =	vsub.f32 v63, v2;
	[tilespmem:s28+$0xFFFFFFC0] =	vst v0;
	v1 =	vsub.f32 v6, v1  }
0x4e: {  	[tilespmem:s24+$0x0] =	vst v0  }
0x4f: {  	s31 =	simm.s32 $0x130C0;
	s29 =	simm.s32 $0x0;
	v2 =	vmax.f32 v2, $0.0e+00;
	[tilespmem:s25+$0x0] =	vst v0;
	v1 =	vmax.f32 v1, $0.0e+00  }
.LBB2_2:
0x50: {  	v3 =	vld [tilespmem:s31+$0x30];
	[tilespmem:s28+$0x0] =	vst v0;
	s8 =	sadd.s32 $0x80, s8  }
0x51: {  	v4 =	vld [tilespmem:s8+$0x30];
	[tilespmem:s7+$0x10] =	vst v2  }
0x52: {  	v5 =	vld [tilespmem:s8+$0xFFFFFFC0];
	[tilespmem:s24+$0x10] =	vst v0  }
0x53: {  	v2 =	vld [tilespmem:s31+$0xFFFFFFD0];
	[tilespmem:s25+$0x10] =	vst v0  }
0x54: {  	s29 =	sadd.s32 $0x8, s29;
	v6 =	vld [tilespmem:s8+$0xFFFFFFD0];
	[tilespmem:s28+$0x10] =	vst v0  }
0x55: {  	p0 =	slt.u32 s29, $0xF8;
	v7 =	vld [tilespmem:s31+$0xFFFFFFE0];
	[tilespmem:s7+$0x20] =	vst v1  }
0x56: {  	v1 =	vld [tilespmem:s8+$0xFFFFFFE0];
	v3 =	vsub.f32 v3, v4;
	[tilespmem:s24+$0x20] =	vst v0  }
0x57: {  	v4 =	vld [tilespmem:s31+$0xFFFFFFF0];
	[tilespmem:s25+$0x20] =	vst v0  }
0x58: {  	s7 =	sadd.s32 $0x80, s7;
	v8 =	vld [tilespmem:s8+$0xFFFFFFF0];
	v3 =	vmax.f32 v3, $0.0e+00;
	[tilespmem:s28+$0x20] =	vst v0  }
0x59: {  	s24 =	sadd.s32 $0x80, s24;
	v2 =	vsub.f32 v2, v6;
	v6 =	vld [tilespmem:s31+$0x0];
	[tilespmem:s7+$0x30] =	vst v3  }
0x5a: {  	s25 =	sadd.s32 $0x80, s25;
	v3 =	vld [tilespmem:s8+$0x0];
	[tilespmem:s24+$0x30] =	vst v0  }
0x5b: {  	s28 =	sadd.s32 $0x80, s28;
	v2 =	vmax.f32 v2, $0.0e+00;
	v1 =	vsub.f32 v7, v1;
	v7 =	vld [tilespmem:s31+$0x10];
	[tilespmem:s25+$0x30] =	vst v0  }
0x5c: {  	v9 =	vld [tilespmem:s8+$0x10];
	[tilespmem:s28+$0x30] =	vst v0  }
0x5d: {  	[tilespmem:s7+$0xFFFFFFD0] =	vst v2;
	v1 =	vmax.f32 v1, $0.0e+00;
	v2 =	vsub.f32 v4, v8;
	v4 =	vld [tilespmem:s31+$0x20]  }
0x5e: {  	[tilespmem:s24+$0xFFFFFFD0] =	vst v0;
	v8 =	vld [tilespmem:s8+$0x20]  }
0x5f: {  	v10 =	vld [tilespmem:s31+$0xFFFFFFC0];
	[tilespmem:s25+$0xFFFFFFD0] =	vst v0;
	v11 =	vmax.f32 v2, $0.0e+00;
	v2 =	vsub.f32 v6, v3  }
0x60: {  	[tilespmem:s28+$0xFFFFFFD0] =	vst v0  }
0x61: {  	[tilespmem:s7+$0xFFFFFFE0] =	vst v1;
	v3 =	vmax.f32 v2, $0.0e+00;
	v1 =	vsub.f32 v7, v9  }
0x62: {  	[tilespmem:s24+$0xFFFFFFE0] =	vst v0  }
0x63: {  	[tilespmem:s25+$0xFFFFFFE0] =	vst v0;
	v2 =	vmax.f32 v1, $0.0e+00;
	v1 =	vsub.f32 v4, v8  }
0x64: {  	v4 =	vsub.f32 v10, v5;
	[tilespmem:s28+$0xFFFFFFE0] =	vst v0  }
0x65: {  	[tilespmem:s7+$0xFFFFFFF0] =	vst v11;
	v1 =	vmax.f32 v1, $0.0e+00  }
0x66: {  	v4 =	vmax.f32 v4, $0.0e+00;
	[tilespmem:s24+$0xFFFFFFF0] =	vst v0  }
0x67: {  	[tilespmem:s7+$0xFFFFFFC0] =	vst v4  }
0x68: {  	[tilespmem:s24+$0xFFFFFFC0] =	vst v0  }
0x69: {  	[tilespmem:s25+$0xFFFFFFC0] =	vst v0  }
0x6a: {  	[tilespmem:s28+$0xFFFFFFC0] =	vst v0  }
.Ltmp0:
0x6b: {  	[tilespmem:s25+$0xFFFFFFF0] =	vst v0;
	(pc) =	sbr.rel @p0 .LBB2_2-.Ltmp0, $4  }
0x6c: {  	[tilespmem:s28+$0xFFFFFFF0] =	vst v0  }
0x6d: {  	[tilespmem:s7+$0x0] =	vst v3  }
0x6e: {  	[tilespmem:s24+$0x0] =	vst v0  }
0x6f: {  	s31 =	sadd.s32 $0x80, s31;
	[tilespmem:s25+$0x0] =	vst v0  }
0x70: {  	[tilespmem:s28+$0x0] =	vst v0  }
0x71: {  	[tilespmem:s7+$0x10] =	vst v2  }
0x72: {  	[tilespmem:s7+$0x20] =	vst v1  }
0x73: {  	[tilespmem:s24+$0x10] =	vst v0  }
0x74: {  	[tilespmem:s24+$0x20] =	vst v0  }
0x75: {  	[tilespmem:s25+$0x10] =	vst v0  }
0x76: {  	[tilespmem:s25+$0x20] =	vst v0  }
0x77: {  	[tilespmem:s28+$0x10] =	vst v0  }
0x78: {  	[tilespmem:s28+$0x20] =	vst v0  }
0x79: {  	s8 =	simm.s32 $0x13000;
	s7 =	rddreg [dreg:$0xe]  }
0x7a: {  	[tilespmem:s8], [sflag:$0x8] =	stream.linear.gather [hbm4b:s7+s11], $0x1000, $0x38;
	[tilespmem:$0x1C000] =	vst v63  }
0x7b: {  	s25 =	simm.s32 $0x12000;
	s24 =	rddreg [dreg:$0xf]  }
0x7c: {  	[tilespmem:s25], [sflag:$0x9] =	stream.linear.gather [hbm4b:s24+s11], $0x1000, $0x38;
	[tilespmem:$0x1C000] =	vst v63  }
0x7d: {  	_ =	swait.ge [sflag:s9], $0x1000  }
0x7e: {  	[sflag:s9] =	ssyncset.done $0x0  }
0x7f: {  	[sflag:s9] =	ssyncadd.s32 $0xFFFFF000  }
0x80: {  	_ =	swait.ge [sflag:s30], $0x1000  }
0x81: {  	[sflag:s30] =	ssyncset.done $0x0  }
0x82: {  	s29 =	simm.s32 $0x13040;
	[sflag:s30] =	ssyncadd.s32 $0xFFFFF000  }
0x83: {  	s8 =	simm.s32 $0x12040;
	v1 =	vld [tilespmem:s29+$0x30]  }
0x84: {  	v2 =	vld [tilespmem:s8+$0x30];
	_ =	sdelay $0x2  }
0x85: {  	v3 =	vld [tilespmem:s29+$0xFFFFFFD0]  }
0x86: {  	v4 =	vld [tilespmem:s8+$0xFFFFFFD0]  }
0x87: {  	v1 =	vsub.f32 v1, v2  }
0x88: {  	v5 =	vld [tilespmem:s8+$0xFFFFFFE0]  }
0x89: {  	s7 =	simm.s32 $0x15070;
	v2 =	vld [tilespmem:s29+$0xFFFFFFE0];
	v1 =	vmax.f32 v1, $0.0e+00  }
0x8a: {  	s24 =	simm.s32 $0x9070;
	[tilespmem:s7+$0x0] =	vst v1  }
0x8b: {  	s25 =	simm.s32 $0x1070;
	v1 =	vsub.f32 v3, v4;
	[tilespmem:s24+$0x0] =	vst v0  }
0x8c: {  	s28 =	simm.s32 $0x5070;
	[tilespmem:s25+$0x0] =	vst v0  }
0x8d: {  	v60 =	vld [tilespmem:s8+$0xFFFFFFF0];
	v1 =	vmax.f32 v1, $0.0e+00;
	[tilespmem:s28+$0x0] =	vst v0  }
0x8e: {  	v3 =	vld [tilespmem:s29+$0xFFFFFFF0];
	v2 =	vsub.f32 v2, v5;
	[tilespmem:s7+$0xFFFFFFA0] =	vst v1  }
0x8f: {  	[tilespmem:s24+$0xFFFFFFA0] =	vst v0  }
0x90: {  	v61 =	vld [tilespmem:s29+$0xFFFFFFC0];
	v2 =	vmax.f32 v2, $0.0e+00;
	[tilespmem:s25+$0xFFFFFFA0] =	vst v0  }
0x91: {  	v1 =	vld [tilespmem:s8+$0xFFFFFFC0];
	[tilespmem:s7+$0xFFFFFFB0] =	vst v2  }
0x92: {  	[tilespmem:s28+$0xFFFFFFA0] =	vst v0  }
0x93: {  	v2 =	vsub.f32 v3, v60;
	[tilespmem:s24+$0xFFFFFFB0] =	vst v0  }
0x94: {  	v62 =	vld [tilespmem:s8+$0x0];
	[tilespmem:s25+$0xFFFFFFB0] =	vst v0  }
0x95: {  	v3 =	vld [tilespmem:s29+$0x0];
	v2 =	vmax.f32 v2, $0.0e+00;
	[tilespmem:s28+$0xFFFFFFB0] =	vst v0  }
0x96: {  	v63 =	vld [tilespmem:s29+$0x10];
	v1 =	vsub.f32 v61, v1;
	[tilespmem:s7+$0xFFFFFFC0] =	vst v2  }
0x97: {  	v6 =	vld [tilespmem:s29+$0x20];
	[tilespmem:s24+$0xFFFFFFC0] =	vst v0  }
0x98: {  	v2 =	vld [tilespmem:s8+$0x10];
	v1 =	vmax.f32 v1, $0.0e+00;
	[tilespmem:s25+$0xFFFFFFC0] =	vst v0  }
0x99: {  	[tilespmem:s7+$0xFFFFFF90] =	vst v1;
	v1 =	vld [tilespmem:s8+$0x20]  }
0x9a: {  	v3 =	vsub.f32 v3, v62;
	[tilespmem:s28+$0xFFFFFFC0] =	vst v0  }
0x9b: {  	[tilespmem:s24+$0xFFFFFF90] =	vst v0  }
0x9c: {  	v3 =	vmax.f32 v3, $0.0e+00;
	[tilespmem:s25+$0xFFFFFF90] =	vst v0  }
0x9d: {  	[tilespmem:s7+$0xFFFFFFD0] =	vst v3  }
0x9e: {  	v2 =	vsub.f32 v63, v2;
	[tilespmem:s28+$0xFFFFFF90] =	vst v0;
	v1 =	vsub.f32 v6, v1  }
0x9f: {  	[tilespmem:s24+$0xFFFFFFD0] =	vst v0  }
0xa0: {  	s31 =	simm.s32 $0x130C0;
	s29 =	simm.s32 $0x0;
	v2 =	vmax.f32 v2, $0.0e+00;
	[tilespmem:s25+$0xFFFFFFD0] =	vst v0;
	v1 =	vmax.f32 v1, $0.0e+00  }
.LBB2_4:
0xa1: {  	v3 =	vld [tilespmem:s31+$0x30];
	[tilespmem:s28+$0xFFFFFFD0] =	vst v0;
	s8 =	sadd.s32 $0x80, s8  }
0xa2: {  	v4 =	vld [tilespmem:s8+$0x30];
	[tilespmem:s7+$0xFFFFFFE0] =	vst v2  }
0xa3: {  	v5 =	vld [tilespmem:s8+$0xFFFFFFC0];
	[tilespmem:s24+$0xFFFFFFE0] =	vst v0  }
0xa4: {  	v2 =	vld [tilespmem:s31+$0xFFFFFFD0];
	[tilespmem:s25+$0xFFFFFFE0] =	vst v0  }
0xa5: {  	s29 =	sadd.s32 $0x8, s29;
	v6 =	vld [tilespmem:s8+$0xFFFFFFD0];
	[tilespmem:s28+$0xFFFFFFE0] =	vst v0  }
0xa6: {  	p0 =	slt.u32 s29, $0xF8;
	v7 =	vld [tilespmem:s31+$0xFFFFFFE0];
	[tilespmem:s7+$0xFFFFFFF0] =	vst v1  }
0xa7: {  	v1 =	vld [tilespmem:s8+$0xFFFFFFE0];
	v3 =	vsub.f32 v3, v4;
	[tilespmem:s24+$0xFFFFFFF0] =	vst v0  }
0xa8: {  	v4 =	vld [tilespmem:s31+$0xFFFFFFF0];
	[tilespmem:s25+$0xFFFFFFF0] =	vst v0  }
0xa9: {  	s7 =	sadd.s32 $0x80, s7;
	v8 =	vld [tilespmem:s8+$0xFFFFFFF0];
	v3 =	vmax.f32 v3, $0.0e+00;
	[tilespmem:s28+$0xFFFFFFF0] =	vst v0  }
0xaa: {  	s24 =	sadd.s32 $0x80, s24;
	v2 =	vsub.f32 v2, v6;
	v6 =	vld [tilespmem:s31+$0x0];
	[tilespmem:s7+$0x0] =	vst v3  }
0xab: {  	s25 =	sadd.s32 $0x80, s25;
	v3 =	vld [tilespmem:s8+$0x0];
	[tilespmem:s24+$0x0] =	vst v0  }
0xac: {  	s28 =	sadd.s32 $0x80, s28;
	v2 =	vmax.f32 v2, $0.0e+00;
	v1 =	vsub.f32 v7, v1;
	v7 =	vld [tilespmem:s31+$0x10];
	[tilespmem:s25+$0x0] =	vst v0  }
0xad: {  	v9 =	vld [tilespmem:s8+$0x10];
	[tilespmem:s28+$0x0] =	vst v0  }
0xae: {  	[tilespmem:s7+$0xFFFFFFA0] =	vst v2;
	v1 =	vmax.f32 v1, $0.0e+00;
	v2 =	vsub.f32 v4, v8;
	v4 =	vld [tilespmem:s31+$0x20]  }
0xaf: {  	[tilespmem:s24+$0xFFFFFFA0] =	vst v0;
	v8 =	vld [tilespmem:s8+$0x20]  }
0xb0: {  	v10 =	vld [tilespmem:s31+$0xFFFFFFC0];
	[tilespmem:s25+$0xFFFFFFA0] =	vst v0;
	v11 =	vmax.f32 v2, $0.0e+00;
	v2 =	vsub.f32 v6, v3  }
0xb1: {  	[tilespmem:s28+$0xFFFFFFA0] =	vst v0  }
0xb2: {  	[tilespmem:s7+$0xFFFFFFB0] =	vst v1;
	v3 =	vmax.f32 v2, $0.0e+00;
	v1 =	vsub.f32 v7, v9  }
0xb3: {  	[tilespmem:s24+$0xFFFFFFB0] =	vst v0  }
0xb4: {  	[tilespmem:s25+$0xFFFFFFB0] =	vst v0;
	v2 =	vmax.f32 v1, $0.0e+00;
	v1 =	vsub.f32 v4, v8  }
0xb5: {  	v4 =	vsub.f32 v10, v5;
	[tilespmem:s28+$0xFFFFFFB0] =	vst v0  }
0xb6: {  	[tilespmem:s7+$0xFFFFFFC0] =	vst v11;
	v1 =	vmax.f32 v1, $0.0e+00  }
0xb7: {  	v4 =	vmax.f32 v4, $0.0e+00;
	[tilespmem:s24+$0xFFFFFFC0] =	vst v0  }
0xb8: {  	[tilespmem:s7+$0xFFFFFF90] =	vst v4  }
0xb9: {  	[tilespmem:s24+$0xFFFFFF90] =	vst v0  }
0xba: {  	[tilespmem:s25+$0xFFFFFF90] =	vst v0  }
0xbb: {  	[tilespmem:s28+$0xFFFFFF90] =	vst v0  }
.Ltmp1:
0xbc: {  	[tilespmem:s25+$0xFFFFFFC0] =	vst v0;
	(pc) =	sbr.rel @p0 .LBB2_4-.Ltmp1, $4  }
0xbd: {  	[tilespmem:s28+$0xFFFFFFC0] =	vst v0  }
0xbe: {  	[tilespmem:s7+$0xFFFFFFD0] =	vst v3  }
0xbf: {  	[tilespmem:s24+$0xFFFFFFD0] =	vst v0  }
0xc0: {  	s31 =	sadd.s32 $0x80, s31;
	[tilespmem:s25+$0xFFFFFFD0] =	vst v0  }
0xc1: {  	[tilespmem:s28+$0xFFFFFFD0] =	vst v0  }
0xc2: {  	[tilespmem:s7+$0xFFFFFFE0] =	vst v2  }
0xc3: {  	[tilespmem:s7+$0xFFFFFFF0] =	vst v1  }
0xc4: {  	[tilespmem:s24+$0xFFFFFFE0] =	vst v0  }
0xc5: {  	[tilespmem:s24+$0xFFFFFFF0] =	vst v0  }
0xc6: {  	[tilespmem:s25+$0xFFFFFFE0] =	vst v0  }
0xc7: {  	[tilespmem:s25+$0xFFFFFFF0] =	vst v0  }
0xc8: {  	[tilespmem:s28+$0xFFFFFFE0] =	vst v0  }
0xc9: {  	[tilespmem:s28+$0xFFFFFFF0] =	vst v0  }
0xca: {  	s8 =	simm.s32 $0x13000;
	s7 =	rddreg [dreg:$0x10]  }
0xcb: {  	[tilespmem:s8], [sflag:$0x8] =	stream.linear.gather [hbm4b:s7+s11], $0x1000, $0x38;
	[tilespmem:$0x1C000] =	vst v63  }
0xcc: {  	s25 =	simm.s32 $0x12000;
	s24 =	rddreg [dreg:$0x18]  }
0xcd: {  	[tilespmem:s25], [sflag:$0x9] =	stream.linear.gather [hbm4b:s24+s11], $0x1000, $0x38;
	[tilespmem:$0x1C000] =	vst v63  }
0xce: {  	_ =	swait.ge [sflag:s9], $0x1000  }
0xcf: {  	[sflag:s9] =	ssyncset.done $0x0  }
0xd0: {  	[sflag:s9] =	ssyncadd.s32 $0xFFFFF000  }
0xd1: {  	_ =	swait.ge [sflag:s30], $0x1000  }
0xd2: {  	[sflag:s30] =	ssyncset.done $0x0  }
0xd3: {  	s29 =	simm.s32 $0x13040;
	[sflag:s30] =	ssyncadd.s32 $0xFFFFF000  }
0xd4: {  	s8 =	simm.s32 $0x12040;
	v1 =	vld [tilespmem:s29+$0x30]  }
0xd5: {  	v2 =	vld [tilespmem:s8+$0x30];
	_ =	sdelay $0x2  }
0xd6: {  	v3 =	vld [tilespmem:s29+$0xFFFFFFD0]  }
0xd7: {  	v4 =	vld [tilespmem:s8+$0xFFFFFFD0]  }
0xd8: {  	v1 =	vsub.f32 v1, v2  }
0xd9: {  	v5 =	vld [tilespmem:s8+$0xFFFFFFE0]  }
0xda: {  	s7 =	simm.s32 $0x16070;
	v2 =	vld [tilespmem:s29+$0xFFFFFFE0];
	v1 =	vmax.f32 v1, $0.0e+00  }
0xdb: {  	s24 =	simm.s32 $0xA070;
	[tilespmem:s7+$0x0] =	vst v1  }
0xdc: {  	s25 =	simm.s32 $0x2070;
	v1 =	vsub.f32 v3, v4;
	[tilespmem:s24+$0x0] =	vst v0  }
0xdd: {  	s28 =	simm.s32 $0x6070;
	[tilespmem:s25+$0x0] =	vst v0  }
0xde: {  	v60 =	vld [tilespmem:s8+$0xFFFFFFF0];
	v1 =	vmax.f32 v1, $0.0e+00;
	[tilespmem:s28+$0x0] =	vst v0  }
0xdf: {  	v3 =	vld [tilespmem:s29+$0xFFFFFFF0];
	v2 =	vsub.f32 v2, v5;
	[tilespmem:s7+$0xFFFFFFA0] =	vst v1  }
0xe0: {  	[tilespmem:s24+$0xFFFFFFA0] =	vst v0  }
0xe1: {  	v61 =	vld [tilespmem:s29+$0xFFFFFFC0];
	v2 =	vmax.f32 v2, $0.0e+00;
	[tilespmem:s25+$0xFFFFFFA0] =	vst v0  }
0xe2: {  	v1 =	vld [tilespmem:s8+$0xFFFFFFC0];
	[tilespmem:s7+$0xFFFFFFB0] =	vst v2  }
0xe3: {  	[tilespmem:s28+$0xFFFFFFA0] =	vst v0  }
0xe4: {  	v2 =	vsub.f32 v3, v60;
	[tilespmem:s24+$0xFFFFFFB0] =	vst v0  }
0xe5: {  	v62 =	vld [tilespmem:s8+$0x0];
	[tilespmem:s25+$0xFFFFFFB0] =	vst v0  }
0xe6: {  	v3 =	vld [tilespmem:s29+$0x0];
	v2 =	vmax.f32 v2, $0.0e+00;
	[tilespmem:s28+$0xFFFFFFB0] =	vst v0  }
0xe7: {  	v63 =	vld [tilespmem:s29+$0x10];
	v1 =	vsub.f32 v61, v1;
	[tilespmem:s7+$0xFFFFFFC0] =	vst v2  }
0xe8: {  	v6 =	vld [tilespmem:s29+$0x20];
	[tilespmem:s24+$0xFFFFFFC0] =	vst v0  }
0xe9: {  	v2 =	vld [tilespmem:s8+$0x10];
	v1 =	vmax.f32 v1, $0.0e+00;
	[tilespmem:s25+$0xFFFFFFC0] =	vst v0  }
0xea: {  	[tilespmem:s7+$0xFFFFFF90] =	vst v1;
	v1 =	vld [tilespmem:s8+$0x20]  }
0xeb: {  	v3 =	vsub.f32 v3, v62;
	[tilespmem:s28+$0xFFFFFFC0] =	vst v0  }
0xec: {  	[tilespmem:s24+$0xFFFFFF90] =	vst v0  }
0xed: {  	v3 =	vmax.f32 v3, $0.0e+00;
	[tilespmem:s25+$0xFFFFFF90] =	vst v0  }
0xee: {  	[tilespmem:s7+$0xFFFFFFD0] =	vst v3  }
0xef: {  	v2 =	vsub.f32 v63, v2;
	[tilespmem:s28+$0xFFFFFF90] =	vst v0;
	v1 =	vsub.f32 v6, v1  }
0xf0: {  	[tilespmem:s24+$0xFFFFFFD0] =	vst v0  }
0xf1: {  	s31 =	simm.s32 $0x130C0;
	s29 =	simm.s32 $0x0;
	v2 =	vmax.f32 v2, $0.0e+00;
	[tilespmem:s25+$0xFFFFFFD0] =	vst v0;
	v1 =	vmax.f32 v1, $0.0e+00  }
.LBB2_6:
0xf2: {  	v3 =	vld [tilespmem:s31+$0x30];
	[tilespmem:s28+$0xFFFFFFD0] =	vst v0;
	s8 =	sadd.s32 $0x80, s8  }
0xf3: {  	v4 =	vld [tilespmem:s8+$0x30];
	[tilespmem:s7+$0xFFFFFFE0] =	vst v2  }
0xf4: {  	v5 =	vld [tilespmem:s8+$0xFFFFFFC0];
	[tilespmem:s24+$0xFFFFFFE0] =	vst v0  }
0xf5: {  	v2 =	vld [tilespmem:s31+$0xFFFFFFD0];
	[tilespmem:s25+$0xFFFFFFE0] =	vst v0  }
0xf6: {  	s29 =	sadd.s32 $0x8, s29;
	v6 =	vld [tilespmem:s8+$0xFFFFFFD0];
	[tilespmem:s28+$0xFFFFFFE0] =	vst v0  }
0xf7: {  	p0 =	slt.u32 s29, $0xF8;
	v7 =	vld [tilespmem:s31+$0xFFFFFFE0];
	[tilespmem:s7+$0xFFFFFFF0] =	vst v1  }
0xf8: {  	v1 =	vld [tilespmem:s8+$0xFFFFFFE0];
	v3 =	vsub.f32 v3, v4;
	[tilespmem:s24+$0xFFFFFFF0] =	vst v0  }
0xf9: {  	v4 =	vld [tilespmem:s31+$0xFFFFFFF0];
	[tilespmem:s25+$0xFFFFFFF0] =	vst v0  }
0xfa: {  	s7 =	sadd.s32 $0x80, s7;
	v8 =	vld [tilespmem:s8+$0xFFFFFFF0];
	v3 =	vmax.f32 v3, $0.0e+00;
	[tilespmem:s28+$0xFFFFFFF0] =	vst v0  }
0xfb: {  	s24 =	sadd.s32 $0x80, s24;
	v2 =	vsub.f32 v2, v6;
	v6 =	vld [tilespmem:s31+$0x0];
	[tilespmem:s7+$0x0] =	vst v3  }
0xfc: {  	s25 =	sadd.s32 $0x80, s25;
	v3 =	vld [tilespmem:s8+$0x0];
	[tilespmem:s24+$0x0] =	vst v0  }
0xfd: {  	s28 =	sadd.s32 $0x80, s28;
	v2 =	vmax.f32 v2, $0.0e+00;
	v1 =	vsub.f32 v7, v1;
	v7 =	vld [tilespmem:s31+$0x10];
	[tilespmem:s25+$0x0] =	vst v0  }
0xfe: {  	v9 =	vld [tilespmem:s8+$0x10];
	[tilespmem:s28+$0x0] =	vst v0  }
0xff: {  	[tilespmem:s7+$0xFFFFFFA0] =	vst v2;
	v1 =	vmax.f32 v1, $0.0e+00;
	v2 =	vsub.f32 v4, v8;
	v4 =	vld [tilespmem:s31+$0x20]  }
0x100: {  	[tilespmem:s24+$0xFFFFFFA0] =	vst v0;
	v8 =	vld [tilespmem:s8+$0x20]  }
0x101: {  	v10 =	vld [tilespmem:s31+$0xFFFFFFC0];
	[tilespmem:s25+$0xFFFFFFA0] =	vst v0;
	v11 =	vmax.f32 v2, $0.0e+00;
	v2 =	vsub.f32 v6, v3  }
0x102: {  	[tilespmem:s28+$0xFFFFFFA0] =	vst v0  }
0x103: {  	[tilespmem:s7+$0xFFFFFFB0] =	vst v1;
	v3 =	vmax.f32 v2, $0.0e+00;
	v1 =	vsub.f32 v7, v9  }
0x104: {  	[tilespmem:s24+$0xFFFFFFB0] =	vst v0  }
0x105: {  	[tilespmem:s25+$0xFFFFFFB0] =	vst v0;
	v2 =	vmax.f32 v1, $0.0e+00;
	v1 =	vsub.f32 v4, v8  }
0x106: {  	v4 =	vsub.f32 v10, v5;
	[tilespmem:s28+$0xFFFFFFB0] =	vst v0  }
0x107: {  	[tilespmem:s7+$0xFFFFFFC0] =	vst v11;
	v1 =	vmax.f32 v1, $0.0e+00  }
0x108: {  	v4 =	vmax.f32 v4, $0.0e+00;
	[tilespmem:s24+$0xFFFFFFC0] =	vst v0  }
0x109: {  	[tilespmem:s7+$0xFFFFFF90] =	vst v4  }
0x10a: {  	[tilespmem:s24+$0xFFFFFF90] =	vst v0  }
0x10b: {  	[tilespmem:s25+$0xFFFFFF90] =	vst v0  }
0x10c: {  	[tilespmem:s28+$0xFFFFFF90] =	vst v0  }
.Ltmp2:
0x10d: {  	[tilespmem:s25+$0xFFFFFFC0] =	vst v0;
	(pc) =	sbr.rel @p0 .LBB2_6-.Ltmp2, $4  }
0x10e: {  	[tilespmem:s28+$0xFFFFFFC0] =	vst v0  }
0x10f: {  	[tilespmem:s7+$0xFFFFFFD0] =	vst v3  }
0x110: {  	[tilespmem:s24+$0xFFFFFFD0] =	vst v0  }
0x111: {  	s31 =	sadd.s32 $0x80, s31;
	[tilespmem:s25+$0xFFFFFFD0] =	vst v0  }
0x112: {  	[tilespmem:s28+$0xFFFFFFD0] =	vst v0  }
0x113: {  	[tilespmem:s7+$0xFFFFFFE0] =	vst v2  }
0x114: {  	[tilespmem:s7+$0xFFFFFFF0] =	vst v1  }
0x115: {  	[tilespmem:s24+$0xFFFFFFE0] =	vst v0  }
0x116: {  	[tilespmem:s24+$0xFFFFFFF0] =	vst v0  }
0x117: {  	[tilespmem:s25+$0xFFFFFFE0] =	vst v0  }
0x118: {  	[tilespmem:s25+$0xFFFFFFF0] =	vst v0  }
0x119: {  	[tilespmem:s28+$0xFFFFFFE0] =	vst v0  }
0x11a: {  	[tilespmem:s28+$0xFFFFFFF0] =	vst v0  }
0x11b: {  	s8 =	simm.s32 $0x13000;
	s7 =	rddreg [dreg:$0x19]  }
0x11c: {  	[tilespmem:s8], [sflag:$0x8] =	stream.linear.gather [hbm4b:s7+s11], $0x1000, $0x38;
	[tilespmem:$0x1C000] =	vst v63  }
0x11d: {  	s25 =	simm.s32 $0x12000;
	s24 =	rddreg [dreg:$0x1a]  }
0x11e: {  	[tilespmem:s25], [sflag:$0x9] =	stream.linear.gather [hbm4b:s24+s11], $0x1000, $0x38;
	[tilespmem:$0x1C000] =	vst v63  }
0x11f: {  	_ =	swait.ge [sflag:s9], $0x1000  }
0x120: {  	[sflag:s9] =	ssyncset.done $0x0  }
0x121: {  	[sflag:s9] =	ssyncadd.s32 $0xFFFFF000  }
0x122: {  	_ =	swait.ge [sflag:s30], $0x1000  }
0x123: {  	[sflag:s30] =	ssyncset.done $0x0  }
0x124: {  	s29 =	simm.s32 $0x13040;
	[sflag:s30] =	ssyncadd.s32 $0xFFFFF000  }
0x125: {  	s8 =	simm.s32 $0x12040;
	v1 =	vld [tilespmem:s29+$0x30]  }
0x126: {  	v2 =	vld [tilespmem:s8+$0x30];
	_ =	sdelay $0x2  }
0x127: {  	v3 =	vld [tilespmem:s29+$0xFFFFFFD0]  }
0x128: {  	v4 =	vld [tilespmem:s8+$0xFFFFFFD0]  }
0x129: {  	v1 =	vsub.f32 v1, v2  }
0x12a: {  	v5 =	vld [tilespmem:s8+$0xFFFFFFE0]  }
0x12b: {  	s7 =	simm.s32 $0x17070;
	v2 =	vld [tilespmem:s29+$0xFFFFFFE0];
	v1 =	vmax.f32 v1, $0.0e+00  }
0x12c: {  	s24 =	simm.s32 $0xB070;
	[tilespmem:s7+$0x0] =	vst v1  }
0x12d: {  	s25 =	simm.s32 $0x3070;
	v1 =	vsub.f32 v3, v4;
	[tilespmem:s24+$0x0] =	vst v0  }
0x12e: {  	s28 =	simm.s32 $0x7070;
	[tilespmem:s25+$0x0] =	vst v0  }
0x12f: {  	v60 =	vld [tilespmem:s8+$0xFFFFFFF0];
	v1 =	vmax.f32 v1, $0.0e+00;
	[tilespmem:s28+$0x0] =	vst v0  }
0x130: {  	v3 =	vld [tilespmem:s29+$0xFFFFFFF0];
	v2 =	vsub.f32 v2, v5;
	[tilespmem:s7+$0xFFFFFFA0] =	vst v1  }
0x131: {  	[tilespmem:s24+$0xFFFFFFA0] =	vst v0  }
0x132: {  	v61 =	vld [tilespmem:s29+$0xFFFFFFC0];
	v2 =	vmax.f32 v2, $0.0e+00;
	[tilespmem:s25+$0xFFFFFFA0] =	vst v0  }
0x133: {  	v1 =	vld [tilespmem:s8+$0xFFFFFFC0];
	[tilespmem:s7+$0xFFFFFFB0] =	vst v2  }
0x134: {  	[tilespmem:s28+$0xFFFFFFA0] =	vst v0  }
0x135: {  	v2 =	vsub.f32 v3, v60;
	[tilespmem:s24+$0xFFFFFFB0] =	vst v0  }
0x136: {  	v62 =	vld [tilespmem:s8+$0x0];
	[tilespmem:s25+$0xFFFFFFB0] =	vst v0  }
0x137: {  	v3 =	vld [tilespmem:s29+$0x0];
	v2 =	vmax.f32 v2, $0.0e+00;
	[tilespmem:s28+$0xFFFFFFB0] =	vst v0  }
0x138: {  	v63 =	vld [tilespmem:s29+$0x10];
	v1 =	vsub.f32 v61, v1;
	[tilespmem:s7+$0xFFFFFFC0] =	vst v2  }
0x139: {  	v6 =	vld [tilespmem:s29+$0x20];
	[tilespmem:s24+$0xFFFFFFC0] =	vst v0  }
0x13a: {  	v2 =	vld [tilespmem:s8+$0x10];
	v1 =	vmax.f32 v1, $0.0e+00;
	[tilespmem:s25+$0xFFFFFFC0] =	vst v0  }
0x13b: {  	[tilespmem:s7+$0xFFFFFF90] =	vst v1;
	v1 =	vld [tilespmem:s8+$0x20]  }
0x13c: {  	v3 =	vsub.f32 v3, v62;
	[tilespmem:s28+$0xFFFFFFC0] =	vst v0  }
0x13d: {  	[tilespmem:s24+$0xFFFFFF90] =	vst v0  }
0x13e: {  	v3 =	vmax.f32 v3, $0.0e+00;
	[tilespmem:s25+$0xFFFFFF90] =	vst v0  }
0x13f: {  	[tilespmem:s7+$0xFFFFFFD0] =	vst v3  }
0x140: {  	v2 =	vsub.f32 v63, v2;
	[tilespmem:s28+$0xFFFFFF90] =	vst v0;
	v1 =	vsub.f32 v6, v1  }
0x141: {  	[tilespmem:s24+$0xFFFFFFD0] =	vst v0  }
0x142: {  	s31 =	simm.s32 $0x130C0;
	s29 =	simm.s32 $0x0;
	v2 =	vmax.f32 v2, $0.0e+00;
	[tilespmem:s25+$0xFFFFFFD0] =	vst v0;
	v1 =	vmax.f32 v1, $0.0e+00  }
.LBB2_8:
0x143: {  	v3 =	vld [tilespmem:s31+$0x30];
	[tilespmem:s28+$0xFFFFFFD0] =	vst v0;
	s8 =	sadd.s32 $0x80, s8  }
0x144: {  	v4 =	vld [tilespmem:s8+$0x30];
	[tilespmem:s7+$0xFFFFFFE0] =	vst v2  }
0x145: {  	v5 =	vld [tilespmem:s8+$0xFFFFFFC0];
	[tilespmem:s24+$0xFFFFFFE0] =	vst v0  }
0x146: {  	v2 =	vld [tilespmem:s31+$0xFFFFFFD0];
	[tilespmem:s25+$0xFFFFFFE0] =	vst v0  }
0x147: {  	s29 =	sadd.s32 $0x8, s29;
	v6 =	vld [tilespmem:s8+$0xFFFFFFD0];
	[tilespmem:s28+$0xFFFFFFE0] =	vst v0  }
0x148: {  	p0 =	slt.u32 s29, $0xF8;
	v7 =	vld [tilespmem:s31+$0xFFFFFFE0];
	[tilespmem:s7+$0xFFFFFFF0] =	vst v1  }
0x149: {  	v1 =	vld [tilespmem:s8+$0xFFFFFFE0];
	v3 =	vsub.f32 v3, v4;
	[tilespmem:s24+$0xFFFFFFF0] =	vst v0  }
0x14a: {  	v4 =	vld [tilespmem:s31+$0xFFFFFFF0];
	[tilespmem:s25+$0xFFFFFFF0] =	vst v0  }
0x14b: {  	s7 =	sadd.s32 $0x80, s7;
	v8 =	vld [tilespmem:s8+$0xFFFFFFF0];
	v3 =	vmax.f32 v3, $0.0e+00;
	[tilespmem:s28+$0xFFFFFFF0] =	vst v0  }
0x14c: {  	s24 =	sadd.s32 $0x80, s24;
	v2 =	vsub.f32 v2, v6;
	v6 =	vld [tilespmem:s31+$0x0];
	[tilespmem:s7+$0x0] =	vst v3  }
0x14d: {  	s25 =	sadd.s32 $0x80, s25;
	v3 =	vld [tilespmem:s8+$0x0];
	[tilespmem:s24+$0x0] =	vst v0  }
0x14e: {  	s28 =	sadd.s32 $0x80, s28;
	v2 =	vmax.f32 v2, $0.0e+00;
	v1 =	vsub.f32 v7, v1;
	v7 =	vld [tilespmem:s31+$0x10];
	[tilespmem:s25+$0x0] =	vst v0  }
0x14f: {  	v9 =	vld [tilespmem:s8+$0x10];
	[tilespmem:s28+$0x0] =	vst v0  }
0x150: {  	[tilespmem:s7+$0xFFFFFFA0] =	vst v2;
	v1 =	vmax.f32 v1, $0.0e+00;
	v2 =	vsub.f32 v4, v8;
	v4 =	vld [tilespmem:s31+$0x20]  }
0x151: {  	[tilespmem:s24+$0xFFFFFFA0] =	vst v0;
	v8 =	vld [tilespmem:s8+$0x20]  }
0x152: {  	v10 =	vld [tilespmem:s31+$0xFFFFFFC0];
	[tilespmem:s25+$0xFFFFFFA0] =	vst v0;
	v11 =	vmax.f32 v2, $0.0e+00;
	v2 =	vsub.f32 v6, v3  }
0x153: {  	[tilespmem:s28+$0xFFFFFFA0] =	vst v0  }
0x154: {  	[tilespmem:s7+$0xFFFFFFB0] =	vst v1;
	v3 =	vmax.f32 v2, $0.0e+00;
	v1 =	vsub.f32 v7, v9  }
0x155: {  	[tilespmem:s24+$0xFFFFFFB0] =	vst v0  }
0x156: {  	[tilespmem:s25+$0xFFFFFFB0] =	vst v0;
	v2 =	vmax.f32 v1, $0.0e+00;
	v1 =	vsub.f32 v4, v8  }
0x157: {  	v4 =	vsub.f32 v10, v5;
	[tilespmem:s28+$0xFFFFFFB0] =	vst v0  }
0x158: {  	[tilespmem:s7+$0xFFFFFFC0] =	vst v11;
	v1 =	vmax.f32 v1, $0.0e+00  }
0x159: {  	v4 =	vmax.f32 v4, $0.0e+00;
	[tilespmem:s24+$0xFFFFFFC0] =	vst v0  }
0x15a: {  	[tilespmem:s7+$0xFFFFFF90] =	vst v4  }
0x15b: {  	[tilespmem:s24+$0xFFFFFF90] =	vst v0  }
0x15c: {  	[tilespmem:s25+$0xFFFFFF90] =	vst v0  }
0x15d: {  	[tilespmem:s28+$0xFFFFFF90] =	vst v0  }
.Ltmp3:
0x15e: {  	[tilespmem:s25+$0xFFFFFFC0] =	vst v0;
	(pc) =	sbr.rel @p0 .LBB2_8-.Ltmp3, $4  }
0x15f: {  	[tilespmem:s28+$0xFFFFFFC0] =	vst v0  }
0x160: {  	[tilespmem:s7+$0xFFFFFFD0] =	vst v3  }
0x161: {  	[tilespmem:s24+$0xFFFFFFD0] =	vst v0  }
0x162: {  	s31 =	sadd.s32 $0x80, s31;
	[tilespmem:s25+$0xFFFFFFD0] =	vst v0  }
0x163: {  	[tilespmem:s28+$0xFFFFFFD0] =	vst v0  }
0x164: {  	[tilespmem:s7+$0xFFFFFFE0] =	vst v2  }
0x165: {  	[tilespmem:s7+$0xFFFFFFF0] =	vst v1  }
0x166: {  	[tilespmem:s24+$0xFFFFFFE0] =	vst v0  }
0x167: {  	[tilespmem:s24+$0xFFFFFFF0] =	vst v0  }
0x168: {  	[tilespmem:s25+$0xFFFFFFE0] =	vst v0  }
0x169: {  	[tilespmem:s25+$0xFFFFFFF0] =	vst v0  }
0x16a: {  	[tilespmem:s28+$0xFFFFFFE0] =	vst v0  }
0x16b: {  	s29 =	simm.s32 $0x7;
	[tilespmem:s28+$0xFFFFFFF0] =	vst v0  }
0x16c: {  	_ =	swait.ge [sflag:s29], $0x4000  }
0x16d: {  	[sflag:s29] =	ssyncset.done $0x0  }
0x16e: {  	s31 =	simm.s32 $0x10000;
	s28 =	simm.s32 $0x0;
	[sflag:s29] =	ssyncadd.s32 $0xFFFFC000  }
.LBB2_10:
0x16f: {  	_ =	swait.ge [sflag:s5], $0x1000  }
0x170: {  	[sflag:s5] =	ssyncset.done $0x0  }
0x171: {  	[sflag:s5] =	ssyncadd.s32 $0xFFFFF000  }
0x172: {  	_ =	swait.ge [sflag:s13], $0x1000  }
0x173: {  	s7 =	sshll.u32 s28, $0xD;
	[sflag:s13] =	ssyncset.done $0x0  }
0x174: {  	s24 =	sadd.s32 s12, s7;
	[sflag:s13] =	ssyncadd.s32 $0xFFFFF000  }
0x175: {  	s7 =	sshrl.u32 s24, $0x3;
	_ =	swait.ge [sflag:s14], $0x1000  }
0x176: {  	s7 =	sor.u32 $0x200, s7;
	[sflag:s14] =	ssyncset.done $0x0  }
0x177: {  	s8 =	sadd.s32 s1, s7;
	[sflag:s14] =	ssyncadd.s32 $0xFFFFF000  }
0x178: {  	[tilespmem:s15], [sflag:$0x6] =	stream.linear.gather [hbm4b:s8+s11], $0x1000, $0x38;
	[tilespmem:$0x1C000] =	vst v63  }
0x179: {  	s25 =	sadd.s32 s2, s7  }
0x17a: {  	[tilespmem:s16], [sflag:$0x2] =	stream.linear.gather [hbm4b:s25+s11], $0x1000, $0x38;
	[tilespmem:$0x1C000] =	vst v63  }
0x17b: {  	s7 =	sadd.s32 s0, s7;
	s25 =	simm.s32 $0xC080  }
0x17c: {  	[tilespmem:s17], [sflag:$0x4] =	stream.linear.gather [hbm4b:s7+s11], $0x1000, $0x38;
	[tilespmem:$0x1C000] =	vst v63  }
0x17d: {  	v1 =	vld [tilespmem:s25+$0x70]  }
0x17e: {  	v2 =	vld [tilespmem:s25+$0xFFFFFF80]  }
0x17f: {  	v3 =	vld [tilespmem:s25+$0xFFFFFF90]  }
0x180: {  	v4 =	vld [tilespmem:s25+$0xFFFFFFA0]  }
0x181: {  	v5 =	vld [tilespmem:s25+$0xFFFFFFB0]  }
0x182: {  	v6 =	vld [tilespmem:s25+$0xFFFFFFC0]  }
0x183: {  	s7 =	simm.s32 $0x10080;
	v7 =	vld [tilespmem:s25+$0xFFFFFFD0]  }
0x184: {  	s8 =	simm.s32 $0xE080;
	v8 =	vld [tilespmem:s7+$0x70]  }
0x185: {  	v9 =	vld [tilespmem:s8+$0x70]  }
0x186: {  	v10 =	vld [tilespmem:s25+$0xFFFFFFE0]  }
0x187: {  	v11 =	vld [tilespmem:s25+$0xFFFFFFF0]  }
0x188: {  	v12 =	vld [tilespmem:s25+$0x0]  }
0x189: {  	v13 =	vld [tilespmem:s25+$0x10]  }
0x18a: {  	v14 =	vld [tilespmem:s25+$0x20]  }
0x18b: {  	v46 =	vld [tilespmem:s25+$0x30]  }
0x18c: {  	v47 =	vld [tilespmem:s25+$0x50]  }
0x18d: {  	v15 =	vld [tilespmem:s25+$0x60]  }
0x18e: {  	v16 =	vld [tilespmem:s8+$0xFFFFFF90]  }
0x18f: {  	v17 =	vld [tilespmem:s8+$0xFFFFFFA0]  }
0x190: {  	v18 =	vld [tilespmem:s8+$0xFFFFFFB0]  }
0x191: {  	v19 =	vld [tilespmem:s8+$0xFFFFFFC0]  }
0x192: {  	v20 =	vld [tilespmem:s8+$0xFFFFFFD0]  }
0x193: {  	v21 =	vld [tilespmem:s8+$0xFFFFFFE0]  }
0x194: {  	v22 =	vld [tilespmem:s8+$0xFFFFFFF0]  }
0x195: {  	v23 =	vld [tilespmem:s8+$0x0]  }
0x196: {  	v24 =	vld [tilespmem:s8+$0x10]  }
0x197: {  	v25 =	vld [tilespmem:s7+$0xFFFFFF80]  }
0x198: {  	v26 =	vld [tilespmem:s8+$0xFFFFFF80]  }
0x199: {  	v27 =	vld [tilespmem:s8+$0x20]  }
0x19a: {  	v28 =	vld [tilespmem:s8+$0x30]  }
0x19b: {  	v29 =	vld [tilespmem:s7+$0xFFFFFF90]  }
0x19c: {  	v30 =	vld [tilespmem:s8+$0x40]  }
0x19d: {  	v31 =	vld [tilespmem:s8+$0x50]  }
0x19e: {  	v48 =	vld [tilespmem:s7+$0xFFFFFFA0]  }
0x19f: {  	v49 =	vld [tilespmem:s7+$0xFFFFFFB0]  }
0x1a0: {  	v50 =	vld [tilespmem:s7+$0xFFFFFFC0]  }
0x1a1: {  	v51 =	vld [tilespmem:s7+$0xFFFFFFE0]  }
0x1a2: {  	v52 =	vld [tilespmem:s7+$0xFFFFFFF0]  }
0x1a3: {  	v53 =	vld [tilespmem:s7+$0x0]  }
0x1a4: {  	v54 =	vld [tilespmem:s7+$0x10]  }
0x1a5: {  	v55 =	vld [tilespmem:s7+$0x20]  }
0x1a6: {  	v56 =	vld [tilespmem:s7+$0x30]  }
0x1a7: {  	v57 =	vld [tilespmem:s7+$0x40]  }
0x1a8: {  	v58 =	vld [tilespmem:s7+$0x50]  }
0x1a9: {  	v59 =	vld [tilespmem:s7+$0x60]  }
0x1aa: {  	v1 =	vld.idx.msk [tilespmem:v1+s10+$0x0], $0xffff  }
0x1ab: {  	v2 =	vld.idx.msk [tilespmem:v2+s10+$0x0], $0xffff  }
0x1ac: {  	v3 =	vld.idx.msk [tilespmem:v3+s10+$0x0], $0xffff  }
0x1ad: {  	v4 =	vld.idx.msk [tilespmem:v4+s10+$0x0], $0xffff  }
0x1ae: {  	v5 =	vld.idx.msk [tilespmem:v5+s10+$0x0], $0xffff  }
0x1af: {  	v6 =	vld.idx.msk [tilespmem:v6+s10+$0x0], $0xffff  }
0x1b0: {  	v7 =	vld.idx.msk [tilespmem:v7+s10+$0x0], $0xffff  }
0x1b1: {  	v10 =	vld.idx.msk [tilespmem:v10+s10+$0x0], $0xffff  }
0x1b2: {  	v11 =	vld.idx.msk [tilespmem:v11+s10+$0x0], $0xffff  }
0x1b3: {  	v12 =	vld.idx.msk [tilespmem:v12+s10+$0x0], $0xffff  }
0x1b4: {  	v13 =	vld.idx.msk [tilespmem:v13+s10+$0x0], $0xffff  }
0x1b5: {  	v14 =	vld.idx.msk [tilespmem:v14+s10+$0x0], $0xffff  }
0x1b6: {  	v15 =	vld.idx.msk [tilespmem:v15+s10+$0x0], $0xffff;
	v1 =	vmul.f32 v1, v9  }
0x1b7: {  	v9 =	vld.idx.msk [tilespmem:v46+s10+$0x0], $0xffff  }
0x1b8: {  	[tilespmem:v8+s18+$0x0] =	vst.idx.add.f32.msk $0xffff, v1  }
0x1b9: {  	v2 =	vmul.f32 v2, v26;
	v1 =	vld [tilespmem:s25+$0x40]  }
0x1ba: {  	v8 =	vld.idx.msk [tilespmem:v47+s10+$0x0], $0xffff  }
0x1bb: {  	v3 =	vmul.f32 v3, v16;
	[tilespmem:v25+s18+$0x0] =	vst.idx.add.f32.msk $0xffff, v2  }
0x1bc: {  	v2 =	vld [tilespmem:s8+$0x60]  }
0x1bd: {  	v4 =	vmul.f32 v4, v17;
	[tilespmem:v29+s18+$0x0] =	vst.idx.add.f32.msk $0xffff, v3  }
0x1be: {  	v5 =	vmul.f32 v5, v18;
	v3 =	vld [tilespmem:s7+$0xFFFFFFD0]  }
0x1bf: {  	v6 =	vmul.f32 v6, v19;
	[tilespmem:v48+s18+$0x0] =	vst.idx.add.f32.msk $0xffff, v4  }
0x1c0: {  	v10 =	vmul.f32 v10, v21;
	[tilespmem:v49+s18+$0x0] =	vst.idx.add.f32.msk $0xffff, v5  }
0x1c1: {  	v60 =	vmul.f32 v11, v22;
	[tilespmem:v50+s18+$0x0] =	vst.idx.add.f32.msk $0xffff, v6  }
0x1c2: {  	v61 =	vmul.f32 v13, v24;
	[tilespmem:v51+s18+$0x0] =	vst.idx.add.f32.msk $0xffff, v10  }
0x1c3: {  	[tilespmem:v52+s18+$0x0] =	vst.idx.add.f32.msk $0xffff, v60  }
0x1c4: {  	v62 =	vmul.f32 v14, v27;
	[tilespmem:v54+s18+$0x0] =	vst.idx.add.f32.msk $0xffff, v61  }
0x1c5: {  	v7 =	vmul.f32 v7, v20;
	v1 =	vld.idx.msk [tilespmem:v1+s10+$0x0], $0xffff  }
0x1c6: {  	[tilespmem:v55+s18+$0x0] =	vst.idx.add.f32.msk $0xffff, v62;
	v63 =	vmul.f32 v8, v31  }
0x1c7: {  	[tilespmem:v3+s18+$0x0] =	vst.idx.add.f32.msk $0xffff, v7;
	v3 =	vmul.f32 v12, v23  }
0x1c8: {  	v2 =	vmul.f32 v15, v2;
	[tilespmem:v58+s18+$0x0] =	vst.idx.add.f32.msk $0xffff, v63  }
0x1c9: {  	[tilespmem:v53+s18+$0x0] =	vst.idx.add.f32.msk $0xffff, v3;
	v3 =	vmul.f32 v9, v28  }
0x1ca: {  	[tilespmem:v59+s18+$0x0] =	vst.idx.add.f32.msk $0xffff, v2;
	v1 =	vmul.f32 v1, v30  }
0x1cb: {  	[tilespmem:v56+s18+$0x0] =	vst.idx.add.f32.msk $0xffff, v3  }
0x1cc: {  	s29 =	simm.s32 $0xC180;
	s25 =	simm.s32 $0x0;
	[tilespmem:v57+s18+$0x0] =	vst.idx.add.f32.msk $0xffff, v1  }
.LBB2_11:
0x1cd: {  	v1 =	vld [tilespmem:s29+$0x70];
	s25 =	sadd.s32 $0x10, s25  }
0x1ce: {  	v2 =	vld [tilespmem:s29+$0xFFFFFF80];
	p0 =	slt.u32 s25, $0xF0  }
0x1cf: {  	v3 =	vld [tilespmem:s29+$0xFFFFFF90]  }
0x1d0: {  	v4 =	vld [tilespmem:s29+$0xFFFFFFA0]  }
0x1d1: {  	v5 =	vld [tilespmem:s29+$0xFFFFFFB0]  }
0x1d2: {  	v6 =	vld [tilespmem:s29+$0xFFFFFFC0]  }
0x1d3: {  	s7 =	sadd.s32 $0x100, s7;
	v7 =	vld [tilespmem:s29+$0xFFFFFFD0]  }
0x1d4: {  	v8 =	vld [tilespmem:s7+$0x70]  }
0x1d5: {  	s8 =	sadd.s32 $0x100, s8;
	v1 =	vld.idx.msk [tilespmem:v1+s10+$0x0], $0xffff  }
0x1d6: {  	v9 =	vld [tilespmem:s8+$0x70]  }
0x1d7: {  	v10 =	vld [tilespmem:s29+$0xFFFFFFE0]  }
0x1d8: {  	v11 =	vld [tilespmem:s29+$0xFFFFFFF0]  }
0x1d9: {  	v12 =	vld [tilespmem:s29+$0x0]  }
0x1da: {  	v13 =	vld [tilespmem:s29+$0x10]  }
0x1db: {  	v14 =	vld [tilespmem:s29+$0x20];
	v1 =	vmul.f32 v1, v9  }
0x1dc: {  	v9 =	vld [tilespmem:s29+$0x30]  }
0x1dd: {  	[tilespmem:v8+s18+$0x0] =	vst.idx.add.f32.msk $0xffff, v1  }
0x1de: {  	v1 =	vld [tilespmem:s29+$0x40]  }
0x1df: {  	v8 =	vld [tilespmem:s29+$0x50]  }
0x1e0: {  	v15 =	vld [tilespmem:s29+$0x60]  }
0x1e1: {  	v2 =	vld.idx.msk [tilespmem:v2+s10+$0x0], $0xffff  }
0x1e2: {  	v3 =	vld.idx.msk [tilespmem:v3+s10+$0x0], $0xffff  }
0x1e3: {  	v4 =	vld.idx.msk [tilespmem:v4+s10+$0x0], $0xffff  }
0x1e4: {  	v5 =	vld.idx.msk [tilespmem:v5+s10+$0x0], $0xffff  }
0x1e5: {  	v6 =	vld.idx.msk [tilespmem:v6+s10+$0x0], $0xffff  }
0x1e6: {  	v7 =	vld.idx.msk [tilespmem:v7+s10+$0x0], $0xffff  }
0x1e7: {  	v10 =	vld.idx.msk [tilespmem:v10+s10+$0x0], $0xffff  }
0x1e8: {  	v11 =	vld.idx.msk [tilespmem:v11+s10+$0x0], $0xffff  }
0x1e9: {  	v12 =	vld.idx.msk [tilespmem:v12+s10+$0x0], $0xffff  }
0x1ea: {  	v13 =	vld.idx.msk [tilespmem:v13+s10+$0x0], $0xffff  }
0x1eb: {  	v14 =	vld.idx.msk [tilespmem:v14+s10+$0x0], $0xffff  }
0x1ec: {  	v9 =	vld.idx.msk [tilespmem:v9+s10+$0x0], $0xffff  }
0x1ed: {  	v1 =	vld.idx.msk [tilespmem:v1+s10+$0x0], $0xffff  }
0x1ee: {  	v8 =	vld.idx.msk [tilespmem:v8+s10+$0x0], $0xffff  }
0x1ef: {  	v15 =	vld.idx.msk [tilespmem:v15+s10+$0x0], $0xffff  }
0x1f0: {  	v16 =	vld [tilespmem:s8+$0xFFFFFF90]  }
0x1f1: {  	v17 =	vld [tilespmem:s8+$0xFFFFFFA0]  }
0x1f2: {  	v18 =	vld [tilespmem:s8+$0xFFFFFFB0]  }
0x1f3: {  	v19 =	vld [tilespmem:s8+$0xFFFFFFC0]  }
0x1f4: {  	v20 =	vld [tilespmem:s8+$0xFFFFFFD0]  }
0x1f5: {  	v3 =	vmul.f32 v3, v16;
	v16 =	vld [tilespmem:s8+$0xFFFFFFE0]  }
0x1f6: {  	v4 =	vmul.f32 v4, v17;
	v17 =	vld [tilespmem:s8+$0xFFFFFFF0]  }
0x1f7: {  	v5 =	vmul.f32 v5, v18;
	v18 =	vld [tilespmem:s8+$0x0]  }
0x1f8: {  	v6 =	vmul.f32 v6, v19;
	v19 =	vld [tilespmem:s8+$0x10]  }
0x1f9: {  	v7 =	vmul.f32 v7, v20;
	v20 =	vld [tilespmem:s8+$0x20]  }
0x1fa: {  	v10 =	vmul.f32 v10, v16;
	v16 =	vld [tilespmem:s8+$0x30]  }
0x1fb: {  	v11 =	vmul.f32 v11, v17;
	v17 =	vld [tilespmem:s8+$0x40]  }
0x1fc: {  	v12 =	vmul.f32 v12, v18;
	v18 =	vld [tilespmem:s8+$0x50]  }
0x1fd: {  	v13 =	vmul.f32 v13, v19;
	v19 =	vld [tilespmem:s8+$0x60]  }
0x1fe: {  	v21 =	vld [tilespmem:s8+$0xFFFFFF80];
	v14 =	vmul.f32 v14, v20  }
0x1ff: {  	v20 =	vld [tilespmem:s7+$0xFFFFFF80];
	v9 =	vmul.f32 v9, v16  }
0x200: {  	v16 =	vld [tilespmem:s7+$0xFFFFFF90];
	v1 =	vmul.f32 v1, v17  }
0x201: {  	v17 =	vld [tilespmem:s7+$0xFFFFFFA0];
	v8 =	vmul.f32 v8, v18  }
0x202: {  	v18 =	vld [tilespmem:s7+$0xFFFFFFB0];
	v15 =	vmul.f32 v15, v19  }
0x203: {  	v2 =	vmul.f32 v2, v21;
	v19 =	vld [tilespmem:s7+$0xFFFFFFC0]  }
0x204: {  	v21 =	vld [tilespmem:s7+$0xFFFFFFD0]  }
0x205: {  	v22 =	vld [tilespmem:s7+$0xFFFFFFE0]  }
0x206: {  	v23 =	vld [tilespmem:s7+$0xFFFFFFF0]  }
0x207: {  	v24 =	vld [tilespmem:s7+$0x0]  }
0x208: {  	v25 =	vld [tilespmem:s7+$0x10]  }
0x209: {  	v26 =	vld [tilespmem:s7+$0x20]  }
0x20a: {  	v27 =	vld [tilespmem:s7+$0x30]  }
0x20b: {  	v28 =	vld [tilespmem:s7+$0x40]  }
0x20c: {  	v29 =	vld [tilespmem:s7+$0x50]  }
0x20d: {  	v30 =	vld [tilespmem:s7+$0x60]  }
0x20e: {  	[tilespmem:v20+s18+$0x0] =	vst.idx.add.f32.msk $0xffff, v2  }
0x20f: {  	[tilespmem:v16+s18+$0x0] =	vst.idx.add.f32.msk $0xffff, v3  }
0x210: {  	[tilespmem:v17+s18+$0x0] =	vst.idx.add.f32.msk $0xffff, v4  }
0x211: {  	[tilespmem:v18+s18+$0x0] =	vst.idx.add.f32.msk $0xffff, v5  }
0x212: {  	[tilespmem:v19+s18+$0x0] =	vst.idx.add.f32.msk $0xffff, v6  }
0x213: {  	[tilespmem:v21+s18+$0x0] =	vst.idx.add.f32.msk $0xffff, v7  }
0x214: {  	[tilespmem:v22+s18+$0x0] =	vst.idx.add.f32.msk $0xffff, v10  }
0x215: {  	[tilespmem:v23+s18+$0x0] =	vst.idx.add.f32.msk $0xffff, v11  }
0x216: {  	[tilespmem:v24+s18+$0x0] =	vst.idx.add.f32.msk $0xffff, v12  }
0x217: {  	[tilespmem:v25+s18+$0x0] =	vst.idx.add.f32.msk $0xffff, v13  }
.Ltmp4:
0x218: {  	[tilespmem:v26+s18+$0x0] =	vst.idx.add.f32.msk $0xffff, v14;
	(pc) =	sbr.rel @p0 .LBB2_11-.Ltmp4, $4  }
0x219: {  	[tilespmem:v27+s18+$0x0] =	vst.idx.add.f32.msk $0xffff, v9  }
0x21a: {  	[tilespmem:v28+s18+$0x0] =	vst.idx.add.f32.msk $0xffff, v1  }
0x21b: {  	[tilespmem:v29+s18+$0x0] =	vst.idx.add.f32.msk $0xffff, v8  }
0x21c: {  	s29 =	sadd.s32 $0x100, s29;
	[tilespmem:v30+s18+$0x0] =	vst.idx.add.f32.msk $0xffff, v15  }
0x21d: {  	_ =	swait.ge [sflag:s19], $0x1000  }
0x21e: {  	[sflag:s19] =	ssyncset.done $0x0  }
0x21f: {  	[sflag:s19] =	ssyncadd.s32 $0xFFFFF000  }
0x220: {  	_ =	swait.ge [sflag:s20], $0x1000  }
0x221: {  	[sflag:s20] =	ssyncset.done $0x0  }
0x222: {  	p0 =	seq.s32 s28, $0x9;
	[sflag:s20] =	ssyncadd.s32 $0xFFFFF000  }
0x223: {  	s7 =	sshrl.u32 @!p0 s24, $0x3;
	_ =	swait.ge [sflag:s21], $0x1000  }
0x224: {  	s24 =	simm.s32 @!p0 $0x0;
	s7 =	sadd.s32 @!p0 $0x400, s7;
	[sflag:s21] =	ssyncset.done $0x0  }
0x225: {  	s25 =	simm.s32 @!p0 $0x10000;
	s8 =	sadd.s32 @!p0 s1, s7;
	[sflag:s21] =	ssyncadd.s32 $0xFFFFF000  }
0x226: {  	[tilespmem:s25], [sflag:$0x5] =	stream.linear.gather @!p0 [hbm4b:s8+s24], $0x1000, $0x38;
	[tilespmem:$0x1C000] =	vst v63  }
0x227: {  	s8 =	sadd.s32 @!p0 s2, s7;
	s25 =	simm.s32 @!p0 $0xC000  }
0x228: {  	[tilespmem:s25], [sflag:$0x1] =	stream.linear.gather @!p0 [hbm4b:s8+s24], $0x1000, $0x38;
	[tilespmem:$0x1C000] =	vst v63  }
0x229: {  	s29 =	simm.s32 $0xD080;
	s7 =	sadd.s32 @!p0 s0, s7;
	s8 =	simm.s32 @!p0 $0xE000  }
0x22a: {  	[tilespmem:s8], [sflag:$0x3] =	stream.linear.gather @!p0 [hbm4b:s7+s24], $0x1000, $0x38;
	[tilespmem:$0x1C000] =	vst v63  }
0x22b: {  	v1 =	vld [tilespmem:s29+$0x70]  }
0x22c: {  	v2 =	vld [tilespmem:s29+$0xFFFFFF80]  }
0x22d: {  	v3 =	vld [tilespmem:s29+$0xFFFFFF90]  }
0x22e: {  	v4 =	vld [tilespmem:s29+$0xFFFFFFA0]  }
0x22f: {  	v5 =	vld [tilespmem:s29+$0xFFFFFFB0]  }
0x230: {  	v6 =	vld [tilespmem:s29+$0xFFFFFFC0]  }
0x231: {  	s7 =	simm.s32 $0x11080;
	v7 =	vld [tilespmem:s29+$0xFFFFFFD0]  }
0x232: {  	s8 =	simm.s32 $0xF080;
	v8 =	vld [tilespmem:s7+$0x70]  }
0x233: {  	v9 =	vld [tilespmem:s8+$0x70]  }
0x234: {  	v10 =	vld [tilespmem:s29+$0xFFFFFFE0]  }
0x235: {  	v11 =	vld [tilespmem:s29+$0xFFFFFFF0]  }
0x236: {  	v12 =	vld [tilespmem:s29+$0x0]  }
0x237: {  	v13 =	vld [tilespmem:s29+$0x10]  }
0x238: {  	v14 =	vld [tilespmem:s29+$0x20]  }
0x239: {  	v46 =	vld [tilespmem:s29+$0x30]  }
0x23a: {  	v47 =	vld [tilespmem:s29+$0x50]  }
0x23b: {  	v15 =	vld [tilespmem:s29+$0x60]  }
0x23c: {  	v16 =	vld [tilespmem:s8+$0xFFFFFF90]  }
0x23d: {  	v17 =	vld [tilespmem:s8+$0xFFFFFFA0]  }
0x23e: {  	v18 =	vld [tilespmem:s8+$0xFFFFFFB0]  }
0x23f: {  	v19 =	vld [tilespmem:s8+$0xFFFFFFC0]  }
0x240: {  	v20 =	vld [tilespmem:s8+$0xFFFFFFD0]  }
0x241: {  	v21 =	vld [tilespmem:s8+$0xFFFFFFE0]  }
0x242: {  	v22 =	vld [tilespmem:s8+$0xFFFFFFF0]  }
0x243: {  	v23 =	vld [tilespmem:s8+$0x0]  }
0x244: {  	v24 =	vld [tilespmem:s8+$0x10]  }
0x245: {  	v25 =	vld [tilespmem:s7+$0xFFFFFF80]  }
0x246: {  	v26 =	vld [tilespmem:s8+$0xFFFFFF80]  }
0x247: {  	v27 =	vld [tilespmem:s8+$0x20]  }
0x248: {  	v28 =	vld [tilespmem:s8+$0x30]  }
0x249: {  	v29 =	vld [tilespmem:s7+$0xFFFFFF90]  }
0x24a: {  	v30 =	vld [tilespmem:s8+$0x40]  }
0x24b: {  	v31 =	vld [tilespmem:s8+$0x50]  }
0x24c: {  	v48 =	vld [tilespmem:s7+$0xFFFFFFA0]  }
0x24d: {  	v49 =	vld [tilespmem:s7+$0xFFFFFFB0]  }
0x24e: {  	v50 =	vld [tilespmem:s7+$0xFFFFFFC0]  }
0x24f: {  	v51 =	vld [tilespmem:s7+$0xFFFFFFE0]  }
0x250: {  	v52 =	vld [tilespmem:s7+$0xFFFFFFF0]  }
0x251: {  	v53 =	vld [tilespmem:s7+$0x0]  }
0x252: {  	v54 =	vld [tilespmem:s7+$0x10]  }
0x253: {  	v55 =	vld [tilespmem:s7+$0x20]  }
0x254: {  	v56 =	vld [tilespmem:s7+$0x30]  }
0x255: {  	v57 =	vld [tilespmem:s7+$0x40]  }
0x256: {  	v58 =	vld [tilespmem:s7+$0x50]  }
0x257: {  	v59 =	vld [tilespmem:s7+$0x60]  }
0x258: {  	v1 =	vld.idx.msk [tilespmem:v1+s10+$0x0], $0xffff  }
0x259: {  	v2 =	vld.idx.msk [tilespmem:v2+s10+$0x0], $0xffff  }
0x25a: {  	v3 =	vld.idx.msk [tilespmem:v3+s10+$0x0], $0xffff  }
0x25b: {  	v4 =	vld.idx.msk [tilespmem:v4+s10+$0x0], $0xffff  }
0x25c: {  	v5 =	vld.idx.msk [tilespmem:v5+s10+$0x0], $0xffff  }
0x25d: {  	v6 =	vld.idx.msk [tilespmem:v6+s10+$0x0], $0xffff  }
0x25e: {  	v7 =	vld.idx.msk [tilespmem:v7+s10+$0x0], $0xffff  }
0x25f: {  	v10 =	vld.idx.msk [tilespmem:v10+s10+$0x0], $0xffff  }
0x260: {  	v11 =	vld.idx.msk [tilespmem:v11+s10+$0x0], $0xffff  }
0x261: {  	v12 =	vld.idx.msk [tilespmem:v12+s10+$0x0], $0xffff  }
0x262: {  	v13 =	vld.idx.msk [tilespmem:v13+s10+$0x0], $0xffff  }
0x263: {  	v14 =	vld.idx.msk [tilespmem:v14+s10+$0x0], $0xffff  }
0x264: {  	v15 =	vld.idx.msk [tilespmem:v15+s10+$0x0], $0xffff;
	v1 =	vmul.f32 v1, v9  }
0x265: {  	v9 =	vld.idx.msk [tilespmem:v46+s10+$0x0], $0xffff  }
0x266: {  	[tilespmem:v8+s18+$0x0] =	vst.idx.add.f32.msk $0xffff, v1  }
0x267: {  	v2 =	vmul.f32 v2, v26;
	v1 =	vld [tilespmem:s29+$0x40]  }
0x268: {  	v8 =	vld.idx.msk [tilespmem:v47+s10+$0x0], $0xffff  }
0x269: {  	v3 =	vmul.f32 v3, v16;
	[tilespmem:v25+s18+$0x0] =	vst.idx.add.f32.msk $0xffff, v2  }
0x26a: {  	v2 =	vld [tilespmem:s8+$0x60]  }
0x26b: {  	v4 =	vmul.f32 v4, v17;
	[tilespmem:v29+s18+$0x0] =	vst.idx.add.f32.msk $0xffff, v3  }
0x26c: {  	v5 =	vmul.f32 v5, v18;
	v3 =	vld [tilespmem:s7+$0xFFFFFFD0]  }
0x26d: {  	v6 =	vmul.f32 v6, v19;
	[tilespmem:v48+s18+$0x0] =	vst.idx.add.f32.msk $0xffff, v4  }
0x26e: {  	v10 =	vmul.f32 v10, v21;
	[tilespmem:v49+s18+$0x0] =	vst.idx.add.f32.msk $0xffff, v5  }
0x26f: {  	v60 =	vmul.f32 v11, v22;
	[tilespmem:v50+s18+$0x0] =	vst.idx.add.f32.msk $0xffff, v6  }
0x270: {  	v61 =	vmul.f32 v13, v24;
	[tilespmem:v51+s18+$0x0] =	vst.idx.add.f32.msk $0xffff, v10  }
0x271: {  	[tilespmem:v52+s18+$0x0] =	vst.idx.add.f32.msk $0xffff, v60  }
0x272: {  	v62 =	vmul.f32 v14, v27;
	[tilespmem:v54+s18+$0x0] =	vst.idx.add.f32.msk $0xffff, v61  }
0x273: {  	v7 =	vmul.f32 v7, v20;
	v1 =	vld.idx.msk [tilespmem:v1+s10+$0x0], $0xffff  }
0x274: {  	[tilespmem:v55+s18+$0x0] =	vst.idx.add.f32.msk $0xffff, v62;
	v63 =	vmul.f32 v8, v31  }
0x275: {  	[tilespmem:v3+s18+$0x0] =	vst.idx.add.f32.msk $0xffff, v7;
	v3 =	vmul.f32 v12, v23  }
0x276: {  	v2 =	vmul.f32 v15, v2;
	[tilespmem:v58+s18+$0x0] =	vst.idx.add.f32.msk $0xffff, v63  }
0x277: {  	[tilespmem:v53+s18+$0x0] =	vst.idx.add.f32.msk $0xffff, v3;
	v3 =	vmul.f32 v9, v28  }
0x278: {  	[tilespmem:v59+s18+$0x0] =	vst.idx.add.f32.msk $0xffff, v2;
	v1 =	vmul.f32 v1, v30  }
0x279: {  	[tilespmem:v56+s18+$0x0] =	vst.idx.add.f32.msk $0xffff, v3  }
0x27a: {  	s25 =	simm.s32 $0xD180;
	s24 =	simm.s32 $0x0;
	[tilespmem:v57+s18+$0x0] =	vst.idx.add.f32.msk $0xffff, v1  }
.LBB2_13:
0x27b: {  	v1 =	vld [tilespmem:s25+$0x70];
	s24 =	sadd.s32 $0x10, s24  }
0x27c: {  	v2 =	vld [tilespmem:s25+$0xFFFFFF80];
	p0 =	slt.u32 s24, $0xF0  }
0x27d: {  	v3 =	vld [tilespmem:s25+$0xFFFFFF90]  }
0x27e: {  	v4 =	vld [tilespmem:s25+$0xFFFFFFA0]  }
0x27f: {  	v5 =	vld [tilespmem:s25+$0xFFFFFFB0]  }
0x280: {  	v6 =	vld [tilespmem:s25+$0xFFFFFFC0]  }
0x281: {  	s7 =	sadd.s32 $0x100, s7;
	v7 =	vld [tilespmem:s25+$0xFFFFFFD0]  }
0x282: {  	v8 =	vld [tilespmem:s7+$0x70]  }
0x283: {  	s8 =	sadd.s32 $0x100, s8;
	v1 =	vld.idx.msk [tilespmem:v1+s10+$0x0], $0xffff  }
0x284: {  	v9 =	vld [tilespmem:s8+$0x70]  }
0x285: {  	v10 =	vld [tilespmem:s25+$0xFFFFFFE0]  }
0x286: {  	v11 =	vld [tilespmem:s25+$0xFFFFFFF0]  }
0x287: {  	v12 =	vld [tilespmem:s25+$0x0]  }
0x288: {  	v13 =	vld [tilespmem:s25+$0x10]  }
0x289: {  	v14 =	vld [tilespmem:s25+$0x20];
	v1 =	vmul.f32 v1, v9  }
0x28a: {  	v9 =	vld [tilespmem:s25+$0x30]  }
0x28b: {  	[tilespmem:v8+s18+$0x0] =	vst.idx.add.f32.msk $0xffff, v1  }
0x28c: {  	v1 =	vld [tilespmem:s25+$0x40]  }
0x28d: {  	v8 =	vld [tilespmem:s25+$0x50]  }
0x28e: {  	v15 =	vld [tilespmem:s25+$0x60]  }
0x28f: {  	v2 =	vld.idx.msk [tilespmem:v2+s10+$0x0], $0xffff  }
0x290: {  	v3 =	vld.idx.msk [tilespmem:v3+s10+$0x0], $0xffff  }
0x291: {  	v4 =	vld.idx.msk [tilespmem:v4+s10+$0x0], $0xffff  }
0x292: {  	v5 =	vld.idx.msk [tilespmem:v5+s10+$0x0], $0xffff  }
0x293: {  	v6 =	vld.idx.msk [tilespmem:v6+s10+$0x0], $0xffff  }
0x294: {  	v7 =	vld.idx.msk [tilespmem:v7+s10+$0x0], $0xffff  }
0x295: {  	v10 =	vld.idx.msk [tilespmem:v10+s10+$0x0], $0xffff  }
0x296: {  	v11 =	vld.idx.msk [tilespmem:v11+s10+$0x0], $0xffff  }
0x297: {  	v12 =	vld.idx.msk [tilespmem:v12+s10+$0x0], $0xffff  }
0x298: {  	v13 =	vld.idx.msk [tilespmem:v13+s10+$0x0], $0xffff  }
0x299: {  	v14 =	vld.idx.msk [tilespmem:v14+s10+$0x0], $0xffff  }
0x29a: {  	v9 =	vld.idx.msk [tilespmem:v9+s10+$0x0], $0xffff  }
0x29b: {  	v1 =	vld.idx.msk [tilespmem:v1+s10+$0x0], $0xffff  }
0x29c: {  	v8 =	vld.idx.msk [tilespmem:v8+s10+$0x0], $0xffff  }
0x29d: {  	v15 =	vld.idx.msk [tilespmem:v15+s10+$0x0], $0xffff  }
0x29e: {  	v16 =	vld [tilespmem:s8+$0xFFFFFF90]  }
0x29f: {  	v17 =	vld [tilespmem:s8+$0xFFFFFFA0]  }
0x2a0: {  	v18 =	vld [tilespmem:s8+$0xFFFFFFB0]  }
0x2a1: {  	v19 =	vld [tilespmem:s8+$0xFFFFFFC0]  }
0x2a2: {  	v20 =	vld [tilespmem:s8+$0xFFFFFFD0]  }
0x2a3: {  	v3 =	vmul.f32 v3, v16;
	v16 =	vld [tilespmem:s8+$0xFFFFFFE0]  }
0x2a4: {  	v4 =	vmul.f32 v4, v17;
	v17 =	vld [tilespmem:s8+$0xFFFFFFF0]  }
0x2a5: {  	v5 =	vmul.f32 v5, v18;
	v18 =	vld [tilespmem:s8+$0x0]  }
0x2a6: {  	v6 =	vmul.f32 v6, v19;
	v19 =	vld [tilespmem:s8+$0x10]  }
0x2a7: {  	v7 =	vmul.f32 v7, v20;
	v20 =	vld [tilespmem:s8+$0x20]  }
0x2a8: {  	v10 =	vmul.f32 v10, v16;
	v16 =	vld [tilespmem:s8+$0x30]  }
0x2a9: {  	v11 =	vmul.f32 v11, v17;
	v17 =	vld [tilespmem:s8+$0x40]  }
0x2aa: {  	v12 =	vmul.f32 v12, v18;
	v18 =	vld [tilespmem:s8+$0x50]  }
0x2ab: {  	v13 =	vmul.f32 v13, v19;
	v19 =	vld [tilespmem:s8+$0x60]  }
0x2ac: {  	v21 =	vld [tilespmem:s8+$0xFFFFFF80];
	v14 =	vmul.f32 v14, v20  }
0x2ad: {  	v20 =	vld [tilespmem:s7+$0xFFFFFF80];
	v9 =	vmul.f32 v9, v16  }
0x2ae: {  	v16 =	vld [tilespmem:s7+$0xFFFFFF90];
	v1 =	vmul.f32 v1, v17  }
0x2af: {  	v17 =	vld [tilespmem:s7+$0xFFFFFFA0];
	v8 =	vmul.f32 v8, v18  }
0x2b0: {  	v18 =	vld [tilespmem:s7+$0xFFFFFFB0];
	v15 =	vmul.f32 v15, v19  }
0x2b1: {  	v2 =	vmul.f32 v2, v21;
	v19 =	vld [tilespmem:s7+$0xFFFFFFC0]  }
0x2b2: {  	v21 =	vld [tilespmem:s7+$0xFFFFFFD0]  }
0x2b3: {  	v22 =	vld [tilespmem:s7+$0xFFFFFFE0]  }
0x2b4: {  	v23 =	vld [tilespmem:s7+$0xFFFFFFF0]  }
0x2b5: {  	v24 =	vld [tilespmem:s7+$0x0]  }
0x2b6: {  	v25 =	vld [tilespmem:s7+$0x10]  }
0x2b7: {  	v26 =	vld [tilespmem:s7+$0x20]  }
0x2b8: {  	v27 =	vld [tilespmem:s7+$0x30]  }
0x2b9: {  	v28 =	vld [tilespmem:s7+$0x40]  }
0x2ba: {  	v29 =	vld [tilespmem:s7+$0x50]  }
0x2bb: {  	v30 =	vld [tilespmem:s7+$0x60]  }
0x2bc: {  	[tilespmem:v20+s18+$0x0] =	vst.idx.add.f32.msk $0xffff, v2  }
0x2bd: {  	[tilespmem:v16+s18+$0x0] =	vst.idx.add.f32.msk $0xffff, v3  }
0x2be: {  	[tilespmem:v17+s18+$0x0] =	vst.idx.add.f32.msk $0xffff, v4  }
0x2bf: {  	[tilespmem:v18+s18+$0x0] =	vst.idx.add.f32.msk $0xffff, v5  }
0x2c0: {  	[tilespmem:v19+s18+$0x0] =	vst.idx.add.f32.msk $0xffff, v6  }
0x2c1: {  	[tilespmem:v21+s18+$0x0] =	vst.idx.add.f32.msk $0xffff, v7  }
0x2c2: {  	[tilespmem:v22+s18+$0x0] =	vst.idx.add.f32.msk $0xffff, v10  }
0x2c3: {  	[tilespmem:v23+s18+$0x0] =	vst.idx.add.f32.msk $0xffff, v11  }
0x2c4: {  	[tilespmem:v24+s18+$0x0] =	vst.idx.add.f32.msk $0xffff, v12  }
0x2c5: {  	[tilespmem:v25+s18+$0x0] =	vst.idx.add.f32.msk $0xffff, v13  }
.Ltmp5:
0x2c6: {  	[tilespmem:v26+s18+$0x0] =	vst.idx.add.f32.msk $0xffff, v14;
	(pc) =	sbr.rel @p0 .LBB2_13-.Ltmp5, $4  }
0x2c7: {  	[tilespmem:v27+s18+$0x0] =	vst.idx.add.f32.msk $0xffff, v9  }
0x2c8: {  	[tilespmem:v28+s18+$0x0] =	vst.idx.add.f32.msk $0xffff, v1  }
0x2c9: {  	[tilespmem:v29+s18+$0x0] =	vst.idx.add.f32.msk $0xffff, v8  }
0x2ca: {  	s25 =	sadd.s32 $0x100, s25;
	[tilespmem:v30+s18+$0x0] =	vst.idx.add.f32.msk $0xffff, v15  }
0x2cb: {  	s28 =	sadd.s32 $0x1, s28  }
0x2cc: {  	p0 =	sne.s32 s28, $0xA  }
.Ltmp6:
0x2cd: {  	_ = 	snop;
	(pc) =	sbr.rel @p0 .LBB2_10-.Ltmp6, $1  }
0x2ce: {  	_ =	sdelay $0x3  }
0x2cf: {  	s28 =	simm.s32 $0x0;
	s7 =	rddreg [dreg:$0x11]  }
0x2d0: {  	[tilespmem:s31], [sflag:$0x5] =	stream.linear.gather [hbm4b:s7+s28], $0x1000, $0x38;
	[tilespmem:$0x1C000] =	vst v63  }
0x2d1: {  	s24 =	rddreg [dreg:$0x12];
	s8 =	simm.s32 $0xC000  }
0x2d2: {  	[tilespmem:s8], [sflag:$0x1] =	stream.linear.gather [hbm4b:s24+s28], $0x1000, $0x38;
	[tilespmem:$0x1C000] =	vst v63  }
0x2d3: {  	s25 =	rddreg [dreg:$0x13];
	s29 =	simm.s32 $0xE000  }
0x2d4: {  	[tilespmem:s29], [sflag:$0x3] =	stream.linear.gather [hbm4b:s25+s28], $0x1000, $0x38;
	[tilespmem:$0x1C000] =	vst v63  }
.LBB2_16:
0x2d5: {  	_ =	swait.ge [sflag:s5], $0x1000  }
0x2d6: {  	[sflag:s5] =	ssyncset.done $0x0  }
0x2d7: {  	[sflag:s5] =	ssyncadd.s32 $0xFFFFF000  }
0x2d8: {  	_ =	swait.ge [sflag:s13], $0x1000  }
0x2d9: {  	s7 =	sshll.u32 s28, $0xD;
	[sflag:s13] =	ssyncset.done $0x0  }
0x2da: {  	s29 =	sadd.s32 s12, s7;
	[sflag:s13] =	ssyncadd.s32 $0xFFFFF000  }
0x2db: {  	s7 =	sshrl.u32 s29, $0x3;
	_ =	swait.ge [sflag:s14], $0x1000  }
0x2dc: {  	s7 =	sor.u32 $0x200, s7;
	[sflag:s14] =	ssyncset.done $0x0  }
0x2dd: {  	s8 =	sadd.s32 s4, s7;
	[sflag:s14] =	ssyncadd.s32 $0xFFFFF000  }
0x2de: {  	[tilespmem:s15], [sflag:$0x6] =	stream.linear.gather [hbm4b:s8+s11], $0x1000, $0x38;
	[tilespmem:$0x1C000] =	vst v63  }
0x2df: {  	s25 =	sadd.s32 s6, s7  }
0x2e0: {  	[tilespmem:s16], [sflag:$0x2] =	stream.linear.gather [hbm4b:s25+s11], $0x1000, $0x38;
	[tilespmem:$0x1C000] =	vst v63  }
0x2e1: {  	s7 =	sadd.s32 s3, s7;
	s8 =	simm.s32 $0xC080  }
0x2e2: {  	[tilespmem:s17], [sflag:$0x4] =	stream.linear.gather [hbm4b:s7+s11], $0x1000, $0x38;
	[tilespmem:$0x1C000] =	vst v63  }
0x2e3: {  	v14 =	vld [tilespmem:s8+$0x70]  }
0x2e4: {  	v15 =	vld [tilespmem:s8+$0xFFFFFF80]  }
0x2e5: {  	v16 =	vld [tilespmem:s8+$0xFFFFFF90]  }
0x2e6: {  	v13 =	vld [tilespmem:s8+$0xFFFFFFA0]  }
0x2e7: {  	v12 =	vld [tilespmem:s8+$0xFFFFFFB0]  }
0x2e8: {  	v10 =	vld [tilespmem:s8+$0xFFFFFFC0]  }
0x2e9: {  	s24 =	simm.s32 $0x10080;
	v8 =	vld [tilespmem:s8+$0xFFFFFFD0]  }
0x2ea: {  	s25 =	simm.s32 $0xE080;
	v3 =	vld [tilespmem:s24+$0x70]  }
0x2eb: {  	v17 =	vld [tilespmem:s25+$0x70]  }
0x2ec: {  	v11 =	vld [tilespmem:s8+$0xFFFFFFE0]  }
0x2ed: {  	v9 =	vld [tilespmem:s8+$0xFFFFFFF0]  }
0x2ee: {  	v7 =	vld [tilespmem:s8+$0x0]  }
0x2ef: {  	v4 =	vld [tilespmem:s8+$0x10]  }
0x2f0: {  	v1 =	vld [tilespmem:s8+$0x20]  }
0x2f1: {  	v6 =	vld [tilespmem:s8+$0x50]  }
0x2f2: {  	v31 =	vld [tilespmem:s25+$0xFFFFFF80]  }
0x2f3: {  	v32 =	vld [tilespmem:s25+$0xFFFFFF90]  }
0x2f4: {  	v33 =	vld [tilespmem:s25+$0xFFFFFFA0]  }
0x2f5: {  	v34 =	vld [tilespmem:s25+$0xFFFFFFB0]  }
0x2f6: {  	v35 =	vld [tilespmem:s25+$0xFFFFFFC0]  }
0x2f7: {  	v36 =	vld [tilespmem:s25+$0xFFFFFFD0]  }
0x2f8: {  	v37 =	vld [tilespmem:s25+$0xFFFFFFE0]  }
0x2f9: {  	v38 =	vld [tilespmem:s25+$0xFFFFFFF0]  }
0x2fa: {  	v39 =	vld [tilespmem:s25+$0x0]  }
0x2fb: {  	v40 =	vld [tilespmem:s25+$0x10]  }
0x2fc: {  	v41 =	vld [tilespmem:s25+$0x20]  }
0x2fd: {  	v42 =	vld [tilespmem:s25+$0x30]  }
0x2fe: {  	v43 =	vld [tilespmem:s25+$0x40]  }
0x2ff: {  	v44 =	vld [tilespmem:s25+$0x50]  }
0x300: {  	v45 =	vld [tilespmem:s25+$0x60]  }
0x301: {  	v46 =	vld [tilespmem:s24+$0xFFFFFF90]  }
0x302: {  	v47 =	vld [tilespmem:s24+$0xFFFFFFA0]  }
0x303: {  	v48 =	vld [tilespmem:s24+$0xFFFFFFB0]  }
0x304: {  	v49 =	vld [tilespmem:s24+$0xFFFFFFC0]  }
0x305: {  	v50 =	vld [tilespmem:s24+$0xFFFFFFD0]  }
0x306: {  	v51 =	vld [tilespmem:s24+$0xFFFFFFE0]  }
0x307: {  	v52 =	vld [tilespmem:s24+$0xFFFFFFF0]  }
0x308: {  	v53 =	vld [tilespmem:s24+$0x0]  }
0x309: {  	v54 =	vld [tilespmem:s24+$0x10]  }
0x30a: {  	v55 =	vld [tilespmem:s24+$0x20]  }
0x30b: {  	v56 =	vld [tilespmem:s24+$0x30]  }
0x30c: {  	v57 =	vld [tilespmem:s24+$0x40]  }
0x30d: {  	v58 =	vld [tilespmem:s24+$0x50]  }
0x30e: {  	v59 =	vld [tilespmem:s24+$0x60]  }
0x30f: {  	v60 =	vld [tilespmem:s24+$0xFFFFFF80]  }
0x310: {  	v2 =	vld.idx.msk [tilespmem:v14+s10+$0x0], $0xffff  }
0x311: {  	v19 =	vld.idx.msk [tilespmem:v15+s10+$0x0], $0xffff  }
0x312: {  	v20 =	vld.idx.msk [tilespmem:v16+s10+$0x0], $0xffff  }
0x313: {  	v21 =	vld.idx.msk [tilespmem:v13+s10+$0x0], $0xffff  }
0x314: {  	v22 =	vld.idx.msk [tilespmem:v12+s10+$0x0], $0xffff  }
0x315: {  	v23 =	vld.idx.msk [tilespmem:v10+s10+$0x0], $0xffff  }
0x316: {  	v24 =	vld.idx.msk [tilespmem:v8+s10+$0x0], $0xffff  }
0x317: {  	v25 =	vld.idx.msk [tilespmem:v11+s10+$0x0], $0xffff  }
0x318: {  	v26 =	vld.idx.msk [tilespmem:v1+s10+$0x0], $0xffff  }
0x319: {  	v29 =	vld.idx.msk [tilespmem:v6+s10+$0x0], $0xffff;
	v5 =	vmul.f32 v2, v17  }
0x31a: {  	v2 =	vld [tilespmem:s8+$0x30]  }
0x31b: {  	v20 =	vmul.f32 v20, v32;
	[tilespmem:v3+s22+$0x0] =	vst.idx.add.f32.msk $0xffff, v5  }
0x31c: {  	v21 =	vmul.f32 v21, v33;
	v5 =	vld [tilespmem:s8+$0x40]  }
0x31d: {  	v22 =	vmul.f32 v22, v34;
	[tilespmem:v46+s22+$0x0] =	vst.idx.add.f32.msk $0xffff, v20  }
0x31e: {  	v63 =	vmul.f32 v23, v35;
	[tilespmem:v47+s22+$0x0] =	vst.idx.add.f32.msk $0xffff, v21  }
0x31f: {  	v24 =	vmul.f32 v24, v36;
	[tilespmem:v48+s22+$0x0] =	vst.idx.add.f32.msk $0xffff, v22  }
0x320: {  	v25 =	vmul.f32 v25, v37;
	[tilespmem:v49+s22+$0x0] =	vst.idx.add.f32.msk $0xffff, v63  }
0x321: {  	v19 =	vmul.f32 v19, v31;
	[tilespmem:v50+s22+$0x0] =	vst.idx.add.f32.msk $0xffff, v24  }
0x322: {  	v26 =	vmul.f32 v26, v41;
	[tilespmem:v51+s22+$0x0] =	vst.idx.add.f32.msk $0xffff, v25  }
0x323: {  	v29 =	vmul.f32 v29, v44;
	[tilespmem:v60+s22+$0x0] =	vst.idx.add.f32.msk $0xffff, v19  }
0x324: {  	[tilespmem:v55+s22+$0x0] =	vst.idx.add.f32.msk $0xffff, v26  }
0x325: {  	[tilespmem:v58+s22+$0x0] =	vst.idx.add.f32.msk $0xffff, v29  }
0x326: {  	v18 =	vld.idx.msk [tilespmem:v3+s23+$0x0], $0xffff  }
0x327: {  	v3 =	vld [tilespmem:s8+$0x60]  }
0x328: {  	v60 =	vld.idx.msk [tilespmem:v60+s23+$0x0], $0xffff  }
0x329: {  	v61 =	vld.idx.msk [tilespmem:v46+s23+$0x0], $0xffff  }
0x32a: {  	v62 =	vld.idx.msk [tilespmem:v47+s23+$0x0], $0xffff  }
0x32b: {  	v63 =	vld.idx.msk [tilespmem:v48+s23+$0x0], $0xffff  }
0x32c: {  	v20 =	vld.idx.msk [tilespmem:v49+s23+$0x0], $0xffff  }
0x32d: {  	v21 =	vld.idx.msk [tilespmem:v50+s23+$0x0], $0xffff  }
0x32e: {  	v22 =	vld.idx.msk [tilespmem:v51+s23+$0x0], $0xffff;
	vm0 =	vgt.f32 v18, $0.0e+00  }
0x32f: {  	v49 =	vld.idx.msk [tilespmem:v55+s23+$0x0], $0xffff  }
0x330: {  	v17 =	vmul.f32 v18, v17;
	v18 =	vld.idx.msk [tilespmem:v9+s10+$0x0], $0xffff  }
0x331: {  	v27 =	vld.idx.msk [tilespmem:v2+s10+$0x0], $0xffff;
	vm4 =	vgt.f32 v20, $0.0e+00  }
0x332: {  	v28 =	vld.idx.msk [tilespmem:v5+s10+$0x0], $0xffff  }
0x333: {  	v30 =	vld.idx.msk [tilespmem:v3+s10+$0x0], $0xffff  }
0x334: {  	[tilespmem:v14+s11+$0x0] =	vst.idx.add.f32.msk vm0, v17  }
0x335: {  	v55 =	vmul.f32 v20, v35;
	v14 =	vld.idx.msk [tilespmem:v7+s10+$0x0], $0xffff  }
0x336: {  	v18 =	vmul.f32 v18, v38;
	v17 =	vld.idx.msk [tilespmem:v4+s10+$0x0], $0xffff  }
0x337: {  	v27 =	vmul.f32 v27, v42;
	[tilespmem:v10+s11+$0x0] =	vst.idx.add.f32.msk vm4, v55  }
0x338: {  	vm2 =	vgt.f32 v62, $0.0e+00;
	[tilespmem:v52+s22+$0x0] =	vst.idx.add.f32.msk $0xffff, v18  }
0x339: {  	[tilespmem:v56+s22+$0x0] =	vst.idx.add.f32.msk $0xffff, v27  }
0x33a: {  	v46 =	vld.idx.msk [tilespmem:v52+s23+$0x0], $0xffff  }
0x33b: {  	vm5 =	vgt.f32 v21, $0.0e+00;
	v28 =	vmul.f32 v28, v43;
	v50 =	vld.idx.msk [tilespmem:v56+s23+$0x0], $0xffff  }
0x33c: {  	vm6 =	vgt.f32 v22, $0.0e+00;
	v18 =	vmul.f32 v62, v33;
	v52 =	vld.idx.msk [tilespmem:v58+s23+$0x0], $0xffff  }
0x33d: {  	v30 =	vmul.f32 v30, v45;
	[tilespmem:v57+s22+$0x0] =	vst.idx.add.f32.msk $0xffff, v28  }
0x33e: {  	[tilespmem:v13+s11+$0x0] =	vst.idx.add.f32.msk vm2, v18  }
0x33f: {  	v56 =	vmul.f32 v21, v36;
	[tilespmem:v59+s22+$0x0] =	vst.idx.add.f32.msk $0xffff, v30  }
0x340: {  	v51 =	vld.idx.msk [tilespmem:v57+s23+$0x0], $0xffff;
	v57 =	vmul.f32 v22, v37  }
0x341: {  	[tilespmem:v8+s11+$0x0] =	vst.idx.add.f32.msk vm5, v56;
	v14 =	vmul.f32 v14, v39  }
0x342: {  	vm14 =	vgt.f32 v60, $0.0e+00;
	v17 =	vmul.f32 v17, v40;
	[tilespmem:v11+s11+$0x0] =	vst.idx.add.f32.msk vm6, v57  }
0x343: {  	vm1 =	vgt.f32 v61, $0.0e+00;
	[tilespmem:v53+s22+$0x0] =	vst.idx.add.f32.msk $0xffff, v14  }
0x344: {  	vm11 =	vgt.f32 v49, $0.0e+00;
	[tilespmem:v54+s22+$0x0] =	vst.idx.add.f32.msk $0xffff, v17  }
0x345: {  	vm3 =	vgt.f32 v63, $0.0e+00;
	v47 =	vld.idx.msk [tilespmem:v53+s23+$0x0], $0xffff  }
0x346: {  	v14 =	vmul.f32 v60, v31;
	vm15 =	vgt.f32 v46, $0.0e+00;
	v48 =	vld.idx.msk [tilespmem:v54+s23+$0x0], $0xffff  }
0x347: {  	v17 =	vmul.f32 v61, v32;
	vm12 =	vgt.f32 v50, $0.0e+00;
	v53 =	vld.idx.msk [tilespmem:v59+s23+$0x0], $0xffff  }
0x348: {  	v61 =	vmul.f32 v49, v41;
	[tilespmem:v15+s11+$0x0] =	vst.idx.add.f32.msk vm14, v14;
	vm13 =	vgt.f32 v51, $0.0e+00  }
0x349: {  	v54 =	vmul.f32 v63, v34;
	[tilespmem:v16+s11+$0x0] =	vst.idx.add.f32.msk vm1, v17;
	vm14 =	vgt.f32 v52, $0.0e+00  }
0x34a: {  	v58 =	vmul.f32 v46, v38;
	[tilespmem:v1+s11+$0x0] =	vst.idx.add.f32.msk vm11, v61;
	vm9 =	vgt.f32 v47, $0.0e+00  }
0x34b: {  	v62 =	vmul.f32 v50, v42;
	[tilespmem:v12+s11+$0x0] =	vst.idx.add.f32.msk vm3, v54;
	vm10 =	vgt.f32 v48, $0.0e+00  }
0x34c: {  	v63 =	vmul.f32 v51, v43;
	[tilespmem:v9+s11+$0x0] =	vst.idx.add.f32.msk vm15, v58;
	vm15 =	vgt.f32 v53, $0.0e+00  }
0x34d: {  	v1 =	vmul.f32 v52, v44;
	[tilespmem:v2+s11+$0x0] =	vst.idx.add.f32.msk vm12, v62  }
0x34e: {  	v59 =	vmul.f32 v47, v39;
	[tilespmem:v5+s11+$0x0] =	vst.idx.add.f32.msk vm13, v63  }
0x34f: {  	v60 =	vmul.f32 v48, v40;
	[tilespmem:v6+s11+$0x0] =	vst.idx.add.f32.msk vm14, v1  }
0x350: {  	v2 =	vmul.f32 v53, v45;
	[tilespmem:v7+s11+$0x0] =	vst.idx.add.f32.msk vm9, v59  }
0x351: {  	[tilespmem:v4+s11+$0x0] =	vst.idx.add.f32.msk vm10, v60  }
0x352: {  	s7 =	simm.s32 $0x0;
	s8 =	simm.s32 $0xC180;
	[tilespmem:v3+s11+$0x0] =	vst.idx.add.f32.msk vm15, v2  }
.LBB2_17:
0x353: {  	v16 =	vld [tilespmem:s8+$0x70];
	s7 =	sadd.s32 $0x10, s7  }
0x354: {  	v12 =	vld [tilespmem:s8+$0xFFFFFF80];
	p0 =	slt.u32 s7, $0xF0  }
0x355: {  	v11 =	vld [tilespmem:s8+$0xFFFFFF90]  }
0x356: {  	v4 =	vld [tilespmem:s8+$0xFFFFFFA0]  }
0x357: {  	v3 =	vld [tilespmem:s8+$0xFFFFFFB0]  }
0x358: {  	v2 =	vld [tilespmem:s8+$0xFFFFFFC0]  }
0x359: {  	s24 =	sadd.s32 $0x100, s24;
	v1 =	vld [tilespmem:s8+$0xFFFFFFD0]  }
0x35a: {  	v13 =	vld [tilespmem:s24+$0x70]  }
0x35b: {  	s25 =	sadd.s32 $0x100, s25;
	v10 =	vld.idx.msk [tilespmem:v16+s10+$0x0], $0xffff  }
0x35c: {  	v17 =	vld [tilespmem:s25+$0x70]  }
0x35d: {  	v5 =	vld [tilespmem:s8+$0xFFFFFFE0]  }
0x35e: {  	v6 =	vld [tilespmem:s8+$0xFFFFFFF0]  }
0x35f: {  	v7 =	vld [tilespmem:s8+$0x0]  }
0x360: {  	v8 =	vld [tilespmem:s8+$0x10]  }
0x361: {  	v9 =	vld [tilespmem:s8+$0x20];
	v14 =	vmul.f32 v10, v17  }
0x362: {  	v10 =	vld [tilespmem:s8+$0x30]  }
0x363: {  	[tilespmem:v13+s22+$0x0] =	vst.idx.add.f32.msk $0xffff, v14  }
0x364: {  	v18 =	vld.idx.msk [tilespmem:v13+s23+$0x0], $0xffff  }
0x365: {  	v13 =	vld [tilespmem:s8+$0x40]  }
0x366: {  	v14 =	vld [tilespmem:s8+$0x50]  }
0x367: {  	v15 =	vld [tilespmem:s8+$0x60]  }
0x368: {  	v19 =	vld.idx.msk [tilespmem:v12+s10+$0x0], $0xffff  }
0x369: {  	v20 =	vld.idx.msk [tilespmem:v11+s10+$0x0], $0xffff  }
0x36a: {  	vm0 =	vgt.f32 v18, $0.0e+00;
	v21 =	vld.idx.msk [tilespmem:v4+s10+$0x0], $0xffff  }
0x36b: {  	v22 =	vld.idx.msk [tilespmem:v3+s10+$0x0], $0xffff  }
0x36c: {  	v23 =	vld.idx.msk [tilespmem:v2+s10+$0x0], $0xffff  }
0x36d: {  	v24 =	vld.idx.msk [tilespmem:v1+s10+$0x0], $0xffff  }
0x36e: {  	v17 =	vmul.f32 v18, v17;
	v25 =	vld.idx.msk [tilespmem:v5+s10+$0x0], $0xffff  }
0x36f: {  	v18 =	vld.idx.msk [tilespmem:v6+s10+$0x0], $0xffff  }
0x370: {  	[tilespmem:v16+s11+$0x0] =	vst.idx.add.f32.msk vm0, v17  }
0x371: {  	v16 =	vld.idx.msk [tilespmem:v7+s10+$0x0], $0xffff  }
0x372: {  	v26 =	vld.idx.msk [tilespmem:v8+s10+$0x0], $0xffff  }
0x373: {  	v27 =	vld.idx.msk [tilespmem:v9+s10+$0x0], $0xffff  }
0x374: {  	v28 =	vld.idx.msk [tilespmem:v10+s10+$0x0], $0xffff  }
0x375: {  	v29 =	vld.idx.msk [tilespmem:v13+s10+$0x0], $0xffff  }
0x376: {  	v30 =	vld.idx.msk [tilespmem:v14+s10+$0x0], $0xffff  }
0x377: {  	v31 =	vld.idx.msk [tilespmem:v15+s10+$0x0], $0xffff  }
0x378: {  	v32 =	vld [tilespmem:s25+$0xFFFFFF80]  }
0x379: {  	v33 =	vld [tilespmem:s25+$0xFFFFFF90]  }
0x37a: {  	v34 =	vld [tilespmem:s25+$0xFFFFFFA0]  }
0x37b: {  	v35 =	vld [tilespmem:s25+$0xFFFFFFB0]  }
0x37c: {  	v36 =	vld [tilespmem:s25+$0xFFFFFFC0]  }
0x37d: {  	v37 =	vmul.f32 v19, v32;
	v38 =	vld [tilespmem:s25+$0xFFFFFFD0]  }
0x37e: {  	v39 =	vmul.f32 v20, v33;
	v40 =	vld [tilespmem:s25+$0xFFFFFFE0]  }
0x37f: {  	v41 =	vmul.f32 v21, v34;
	v42 =	vld [tilespmem:s25+$0xFFFFFFF0]  }
0x380: {  	v43 =	vmul.f32 v22, v35;
	v22 =	vld [tilespmem:s25+$0x0]  }
0x381: {  	v23 =	vmul.f32 v23, v36;
	v21 =	vld [tilespmem:s25+$0x10]  }
0x382: {  	v24 =	vmul.f32 v24, v38;
	v20 =	vld [tilespmem:s25+$0x20]  }
0x383: {  	v25 =	vmul.f32 v25, v40;
	v19 =	vld [tilespmem:s25+$0x30]  }
0x384: {  	v44 =	vmul.f32 v18, v42;
	v18 =	vld [tilespmem:s25+$0x40]  }
0x385: {  	v45 =	vmul.f32 v16, v22;
	v17 =	vld [tilespmem:s25+$0x50]  }
0x386: {  	v26 =	vmul.f32 v26, v21;
	v16 =	vld [tilespmem:s25+$0x60]  }
0x387: {  	v46 =	vld [tilespmem:s24+$0xFFFFFF90];
	v27 =	vmul.f32 v27, v20  }
0x388: {  	v47 =	vld [tilespmem:s24+$0xFFFFFFA0];
	v28 =	vmul.f32 v28, v19  }
0x389: {  	v48 =	vld [tilespmem:s24+$0xFFFFFFB0];
	v29 =	vmul.f32 v29, v18  }
0x38a: {  	v49 =	vld [tilespmem:s24+$0xFFFFFFC0];
	v30 =	vmul.f32 v30, v17  }
0x38b: {  	v50 =	vld [tilespmem:s24+$0xFFFFFFD0];
	v31 =	vmul.f32 v31, v16  }
0x38c: {  	v51 =	vld [tilespmem:s24+$0xFFFFFFE0]  }
0x38d: {  	v52 =	vld [tilespmem:s24+$0xFFFFFFF0]  }
0x38e: {  	v53 =	vld [tilespmem:s24+$0x0]  }
0x38f: {  	v54 =	vld [tilespmem:s24+$0x10]  }
0x390: {  	v55 =	vld [tilespmem:s24+$0x20]  }
0x391: {  	v56 =	vld [tilespmem:s24+$0x30]  }
0x392: {  	v57 =	vld [tilespmem:s24+$0x40]  }
0x393: {  	v58 =	vld [tilespmem:s24+$0x50]  }
0x394: {  	v59 =	vld [tilespmem:s24+$0x60]  }
0x395: {  	v60 =	vld [tilespmem:s24+$0xFFFFFF80]  }
0x396: {  	[tilespmem:v46+s22+$0x0] =	vst.idx.add.f32.msk $0xffff, v39  }
0x397: {  	[tilespmem:v47+s22+$0x0] =	vst.idx.add.f32.msk $0xffff, v41  }
0x398: {  	[tilespmem:v48+s22+$0x0] =	vst.idx.add.f32.msk $0xffff, v43  }
0x399: {  	[tilespmem:v49+s22+$0x0] =	vst.idx.add.f32.msk $0xffff, v23  }
0x39a: {  	[tilespmem:v50+s22+$0x0] =	vst.idx.add.f32.msk $0xffff, v24  }
0x39b: {  	[tilespmem:v51+s22+$0x0] =	vst.idx.add.f32.msk $0xffff, v25  }
0x39c: {  	[tilespmem:v52+s22+$0x0] =	vst.idx.add.f32.msk $0xffff, v44  }
0x39d: {  	[tilespmem:v60+s22+$0x0] =	vst.idx.add.f32.msk $0xffff, v37  }
0x39e: {  	[tilespmem:v53+s22+$0x0] =	vst.idx.add.f32.msk $0xffff, v45  }
0x39f: {  	[tilespmem:v54+s22+$0x0] =	vst.idx.add.f32.msk $0xffff, v26  }
0x3a0: {  	[tilespmem:v55+s22+$0x0] =	vst.idx.add.f32.msk $0xffff, v27  }
0x3a1: {  	[tilespmem:v56+s22+$0x0] =	vst.idx.add.f32.msk $0xffff, v28  }
0x3a2: {  	[tilespmem:v57+s22+$0x0] =	vst.idx.add.f32.msk $0xffff, v29  }
0x3a3: {  	[tilespmem:v58+s22+$0x0] =	vst.idx.add.f32.msk $0xffff, v30  }
0x3a4: {  	[tilespmem:v59+s22+$0x0] =	vst.idx.add.f32.msk $0xffff, v31  }
0x3a5: {  	v23 =	vld.idx.msk [tilespmem:v60+s23+$0x0], $0xffff  }
0x3a6: {  	v24 =	vld.idx.msk [tilespmem:v46+s23+$0x0], $0xffff  }
0x3a7: {  	v25 =	vld.idx.msk [tilespmem:v47+s23+$0x0], $0xffff  }
0x3a8: {  	v26 =	vld.idx.msk [tilespmem:v48+s23+$0x0], $0xffff  }
0x3a9: {  	v27 =	vld.idx.msk [tilespmem:v49+s23+$0x0], $0xffff  }
0x3aa: {  	v28 =	vld.idx.msk [tilespmem:v50+s23+$0x0], $0xffff  }
0x3ab: {  	v29 =	vmul.f32 v23, v32;
	vm0 =	vgt.f32 v23, $0.0e+00;
	v23 =	vld.idx.msk [tilespmem:v51+s23+$0x0], $0xffff  }
0x3ac: {  	v30 =	vmul.f32 v24, v33;
	vm1 =	vgt.f32 v24, $0.0e+00;
	v24 =	vld.idx.msk [tilespmem:v52+s23+$0x0], $0xffff  }
0x3ad: {  	v31 =	vmul.f32 v25, v34;
	vm2 =	vgt.f32 v25, $0.0e+00;
	v25 =	vld.idx.msk [tilespmem:v53+s23+$0x0], $0xffff  }
0x3ae: {  	v32 =	vmul.f32 v26, v35;
	vm3 =	vgt.f32 v26, $0.0e+00;
	v26 =	vld.idx.msk [tilespmem:v54+s23+$0x0], $0xffff  }
0x3af: {  	v33 =	vmul.f32 v27, v36;
	vm4 =	vgt.f32 v27, $0.0e+00;
	v27 =	vld.idx.msk [tilespmem:v55+s23+$0x0], $0xffff  }
0x3b0: {  	v34 =	vmul.f32 v28, v38;
	vm5 =	vgt.f32 v28, $0.0e+00;
	v28 =	vld.idx.msk [tilespmem:v56+s23+$0x0], $0xffff  }
0x3b1: {  	v35 =	vmul.f32 v23, v40;
	vm6 =	vgt.f32 v23, $0.0e+00;
	v23 =	vld.idx.msk [tilespmem:v57+s23+$0x0], $0xffff  }
0x3b2: {  	v36 =	vmul.f32 v24, v42;
	vm7 =	vgt.f32 v24, $0.0e+00;
	v24 =	vld.idx.msk [tilespmem:v58+s23+$0x0], $0xffff  }
0x3b3: {  	v22 =	vmul.f32 v25, v22;
	vm8 =	vgt.f32 v25, $0.0e+00;
	v25 =	vld.idx.msk [tilespmem:v59+s23+$0x0], $0xffff  }
0x3b4: {  	[tilespmem:v12+s11+$0x0] =	vst.idx.add.f32.msk vm0, v29;
	v12 =	vmul.f32 v26, v21;
	vm0 =	vgt.f32 v26, $0.0e+00  }
0x3b5: {  	[tilespmem:v11+s11+$0x0] =	vst.idx.add.f32.msk vm1, v30;
	v11 =	vmul.f32 v27, v20;
	vm1 =	vgt.f32 v27, $0.0e+00  }
0x3b6: {  	[tilespmem:v4+s11+$0x0] =	vst.idx.add.f32.msk vm2, v31;
	v4 =	vmul.f32 v28, v19;
	vm2 =	vgt.f32 v28, $0.0e+00  }
0x3b7: {  	[tilespmem:v3+s11+$0x0] =	vst.idx.add.f32.msk vm3, v32;
	v3 =	vmul.f32 v23, v18;
	vm3 =	vgt.f32 v23, $0.0e+00  }
0x3b8: {  	[tilespmem:v2+s11+$0x0] =	vst.idx.add.f32.msk vm4, v33;
	v2 =	vmul.f32 v24, v17;
	vm4 =	vgt.f32 v24, $0.0e+00  }
0x3b9: {  	[tilespmem:v1+s11+$0x0] =	vst.idx.add.f32.msk vm5, v34;
	v1 =	vmul.f32 v25, v16;
	vm5 =	vgt.f32 v25, $0.0e+00  }
0x3ba: {  	[tilespmem:v5+s11+$0x0] =	vst.idx.add.f32.msk vm6, v35  }
0x3bb: {  	[tilespmem:v6+s11+$0x0] =	vst.idx.add.f32.msk vm7, v36  }
0x3bc: {  	[tilespmem:v7+s11+$0x0] =	vst.idx.add.f32.msk vm8, v22  }
0x3bd: {  	[tilespmem:v8+s11+$0x0] =	vst.idx.add.f32.msk vm0, v12  }
.Ltmp7:
0x3be: {  	[tilespmem:v9+s11+$0x0] =	vst.idx.add.f32.msk vm1, v11;
	(pc) =	sbr.rel @p0 .LBB2_17-.Ltmp7, $4  }
0x3bf: {  	[tilespmem:v10+s11+$0x0] =	vst.idx.add.f32.msk vm2, v4  }
0x3c0: {  	[tilespmem:v13+s11+$0x0] =	vst.idx.add.f32.msk vm3, v3  }
0x3c1: {  	[tilespmem:v14+s11+$0x0] =	vst.idx.add.f32.msk vm4, v2  }
0x3c2: {  	s8 =	sadd.s32 $0x100, s8;
	[tilespmem:v15+s11+$0x0] =	vst.idx.add.f32.msk vm5, v1  }
0x3c3: {  	_ =	swait.ge [sflag:s19], $0x1000  }
0x3c4: {  	[sflag:s19] =	ssyncset.done $0x0  }
0x3c5: {  	[sflag:s19] =	ssyncadd.s32 $0xFFFFF000  }
0x3c6: {  	_ =	swait.ge [sflag:s20], $0x1000  }
0x3c7: {  	[sflag:s20] =	ssyncset.done $0x0  }
0x3c8: {  	p0 =	seq.s32 s28, $0x9;
	[sflag:s20] =	ssyncadd.s32 $0xFFFFF000  }
0x3c9: {  	s7 =	sshrl.u32 @!p0 s29, $0x3;
	_ =	swait.ge [sflag:s21], $0x1000  }
0x3ca: {  	s24 =	simm.s32 @!p0 $0x0;
	s7 =	sadd.s32 @!p0 $0x400, s7;
	[sflag:s21] =	ssyncset.done $0x0  }
0x3cb: {  	s25 =	simm.s32 @!p0 $0x10000;
	s8 =	sadd.s32 @!p0 s4, s7;
	[sflag:s21] =	ssyncadd.s32 $0xFFFFF000  }
0x3cc: {  	[tilespmem:s25], [sflag:$0x5] =	stream.linear.gather @!p0 [hbm4b:s8+s24], $0x1000, $0x38;
	[tilespmem:$0x1C000] =	vst v63  }
0x3cd: {  	s8 =	sadd.s32 @!p0 s6, s7;
	s25 =	simm.s32 @!p0 $0xC000  }
0x3ce: {  	[tilespmem:s25], [sflag:$0x1] =	stream.linear.gather @!p0 [hbm4b:s8+s24], $0x1000, $0x38;
	[tilespmem:$0x1C000] =	vst v63  }
0x3cf: {  	s29 =	simm.s32 $0xD080;
	s7 =	sadd.s32 @!p0 s3, s7;
	s8 =	simm.s32 @!p0 $0xE000  }
0x3d0: {  	[tilespmem:s8], [sflag:$0x3] =	stream.linear.gather @!p0 [hbm4b:s7+s24], $0x1000, $0x38;
	[tilespmem:$0x1C000] =	vst v63  }
0x3d1: {  	v14 =	vld [tilespmem:s29+$0x70]  }
0x3d2: {  	v15 =	vld [tilespmem:s29+$0xFFFFFF80]  }
0x3d3: {  	v16 =	vld [tilespmem:s29+$0xFFFFFF90]  }
0x3d4: {  	v13 =	vld [tilespmem:s29+$0xFFFFFFA0]  }
0x3d5: {  	v12 =	vld [tilespmem:s29+$0xFFFFFFB0]  }
0x3d6: {  	v10 =	vld [tilespmem:s29+$0xFFFFFFC0]  }
0x3d7: {  	s24 =	simm.s32 $0x11080;
	v8 =	vld [tilespmem:s29+$0xFFFFFFD0]  }
0x3d8: {  	s25 =	simm.s32 $0xF080;
	v3 =	vld [tilespmem:s24+$0x70]  }
0x3d9: {  	v17 =	vld [tilespmem:s25+$0x70]  }
0x3da: {  	v11 =	vld [tilespmem:s29+$0xFFFFFFE0]  }
0x3db: {  	v9 =	vld [tilespmem:s29+$0xFFFFFFF0]  }
0x3dc: {  	v7 =	vld [tilespmem:s29+$0x0]  }
0x3dd: {  	v4 =	vld [tilespmem:s29+$0x10]  }
0x3de: {  	v1 =	vld [tilespmem:s29+$0x20]  }
0x3df: {  	v6 =	vld [tilespmem:s29+$0x50]  }
0x3e0: {  	v31 =	vld [tilespmem:s25+$0xFFFFFF80]  }
0x3e1: {  	v32 =	vld [tilespmem:s25+$0xFFFFFF90]  }
0x3e2: {  	v33 =	vld [tilespmem:s25+$0xFFFFFFA0]  }
0x3e3: {  	v34 =	vld [tilespmem:s25+$0xFFFFFFB0]  }
0x3e4: {  	v35 =	vld [tilespmem:s25+$0xFFFFFFC0]  }
0x3e5: {  	v36 =	vld [tilespmem:s25+$0xFFFFFFD0]  }
0x3e6: {  	v37 =	vld [tilespmem:s25+$0xFFFFFFE0]  }
0x3e7: {  	v38 =	vld [tilespmem:s25+$0xFFFFFFF0]  }
0x3e8: {  	v39 =	vld [tilespmem:s25+$0x0]  }
0x3e9: {  	v40 =	vld [tilespmem:s25+$0x10]  }
0x3ea: {  	v41 =	vld [tilespmem:s25+$0x20]  }
0x3eb: {  	v42 =	vld [tilespmem:s25+$0x30]  }
0x3ec: {  	v43 =	vld [tilespmem:s25+$0x40]  }
0x3ed: {  	v44 =	vld [tilespmem:s25+$0x50]  }
0x3ee: {  	v45 =	vld [tilespmem:s25+$0x60]  }
0x3ef: {  	v46 =	vld [tilespmem:s24+$0xFFFFFF90]  }
0x3f0: {  	v47 =	vld [tilespmem:s24+$0xFFFFFFA0]  }
0x3f1: {  	v48 =	vld [tilespmem:s24+$0xFFFFFFB0]  }
0x3f2: {  	v49 =	vld [tilespmem:s24+$0xFFFFFFC0]  }
0x3f3: {  	v50 =	vld [tilespmem:s24+$0xFFFFFFD0]  }
0x3f4: {  	v51 =	vld [tilespmem:s24+$0xFFFFFFE0]  }
0x3f5: {  	v52 =	vld [tilespmem:s24+$0xFFFFFFF0]  }
0x3f6: {  	v53 =	vld [tilespmem:s24+$0x0]  }
0x3f7: {  	v54 =	vld [tilespmem:s24+$0x10]  }
0x3f8: {  	v55 =	vld [tilespmem:s24+$0x20]  }
0x3f9: {  	v56 =	vld [tilespmem:s24+$0x30]  }
0x3fa: {  	v57 =	vld [tilespmem:s24+$0x40]  }
0x3fb: {  	v58 =	vld [tilespmem:s24+$0x50]  }
0x3fc: {  	v59 =	vld [tilespmem:s24+$0x60]  }
0x3fd: {  	v60 =	vld [tilespmem:s24+$0xFFFFFF80]  }
0x3fe: {  	v2 =	vld.idx.msk [tilespmem:v14+s10+$0x0], $0xffff  }
0x3ff: {  	v19 =	vld.idx.msk [tilespmem:v15+s10+$0x0], $0xffff  }
0x400: {  	v20 =	vld.idx.msk [tilespmem:v16+s10+$0x0], $0xffff  }
0x401: {  	v21 =	vld.idx.msk [tilespmem:v13+s10+$0x0], $0xffff  }
0x402: {  	v22 =	vld.idx.msk [tilespmem:v12+s10+$0x0], $0xffff  }
0x403: {  	v23 =	vld.idx.msk [tilespmem:v10+s10+$0x0], $0xffff  }
0x404: {  	v24 =	vld.idx.msk [tilespmem:v8+s10+$0x0], $0xffff  }
0x405: {  	v25 =	vld.idx.msk [tilespmem:v11+s10+$0x0], $0xffff  }
0x406: {  	v26 =	vld.idx.msk [tilespmem:v1+s10+$0x0], $0xffff  }
0x407: {  	v29 =	vld.idx.msk [tilespmem:v6+s10+$0x0], $0xffff;
	v5 =	vmul.f32 v2, v17  }
0x408: {  	v2 =	vld [tilespmem:s29+$0x30]  }
0x409: {  	v20 =	vmul.f32 v20, v32;
	[tilespmem:v3+s22+$0x0] =	vst.idx.add.f32.msk $0xffff, v5  }
0x40a: {  	v21 =	vmul.f32 v21, v33;
	v5 =	vld [tilespmem:s29+$0x40]  }
0x40b: {  	v22 =	vmul.f32 v22, v34;
	[tilespmem:v46+s22+$0x0] =	vst.idx.add.f32.msk $0xffff, v20  }
0x40c: {  	v63 =	vmul.f32 v23, v35;
	[tilespmem:v47+s22+$0x0] =	vst.idx.add.f32.msk $0xffff, v21  }
0x40d: {  	v24 =	vmul.f32 v24, v36;
	[tilespmem:v48+s22+$0x0] =	vst.idx.add.f32.msk $0xffff, v22  }
0x40e: {  	v25 =	vmul.f32 v25, v37;
	[tilespmem:v49+s22+$0x0] =	vst.idx.add.f32.msk $0xffff, v63  }
0x40f: {  	v19 =	vmul.f32 v19, v31;
	[tilespmem:v50+s22+$0x0] =	vst.idx.add.f32.msk $0xffff, v24  }
0x410: {  	v26 =	vmul.f32 v26, v41;
	[tilespmem:v51+s22+$0x0] =	vst.idx.add.f32.msk $0xffff, v25  }
0x411: {  	v29 =	vmul.f32 v29, v44;
	[tilespmem:v60+s22+$0x0] =	vst.idx.add.f32.msk $0xffff, v19  }
0x412: {  	[tilespmem:v55+s22+$0x0] =	vst.idx.add.f32.msk $0xffff, v26  }
0x413: {  	[tilespmem:v58+s22+$0x0] =	vst.idx.add.f32.msk $0xffff, v29  }
0x414: {  	v18 =	vld.idx.msk [tilespmem:v3+s23+$0x0], $0xffff  }
0x415: {  	v3 =	vld [tilespmem:s29+$0x60]  }
0x416: {  	v60 =	vld.idx.msk [tilespmem:v60+s23+$0x0], $0xffff  }
0x417: {  	v61 =	vld.idx.msk [tilespmem:v46+s23+$0x0], $0xffff  }
0x418: {  	v62 =	vld.idx.msk [tilespmem:v47+s23+$0x0], $0xffff  }
0x419: {  	v63 =	vld.idx.msk [tilespmem:v48+s23+$0x0], $0xffff  }
0x41a: {  	v20 =	vld.idx.msk [tilespmem:v49+s23+$0x0], $0xffff  }
0x41b: {  	v21 =	vld.idx.msk [tilespmem:v50+s23+$0x0], $0xffff  }
0x41c: {  	v22 =	vld.idx.msk [tilespmem:v51+s23+$0x0], $0xffff;
	vm0 =	vgt.f32 v18, $0.0e+00  }
0x41d: {  	v49 =	vld.idx.msk [tilespmem:v55+s23+$0x0], $0xffff  }
0x41e: {  	v17 =	vmul.f32 v18, v17;
	v18 =	vld.idx.msk [tilespmem:v9+s10+$0x0], $0xffff  }
0x41f: {  	v27 =	vld.idx.msk [tilespmem:v2+s10+$0x0], $0xffff;
	vm4 =	vgt.f32 v20, $0.0e+00  }
0x420: {  	v28 =	vld.idx.msk [tilespmem:v5+s10+$0x0], $0xffff  }
0x421: {  	v30 =	vld.idx.msk [tilespmem:v3+s10+$0x0], $0xffff  }
0x422: {  	[tilespmem:v14+s11+$0x0] =	vst.idx.add.f32.msk vm0, v17  }
0x423: {  	v55 =	vmul.f32 v20, v35;
	v14 =	vld.idx.msk [tilespmem:v7+s10+$0x0], $0xffff  }
0x424: {  	v18 =	vmul.f32 v18, v38;
	v17 =	vld.idx.msk [tilespmem:v4+s10+$0x0], $0xffff  }
0x425: {  	v27 =	vmul.f32 v27, v42;
	[tilespmem:v10+s11+$0x0] =	vst.idx.add.f32.msk vm4, v55  }
0x426: {  	vm2 =	vgt.f32 v62, $0.0e+00;
	[tilespmem:v52+s22+$0x0] =	vst.idx.add.f32.msk $0xffff, v18  }
0x427: {  	[tilespmem:v56+s22+$0x0] =	vst.idx.add.f32.msk $0xffff, v27  }
0x428: {  	v46 =	vld.idx.msk [tilespmem:v52+s23+$0x0], $0xffff  }
0x429: {  	vm5 =	vgt.f32 v21, $0.0e+00;
	v28 =	vmul.f32 v28, v43;
	v50 =	vld.idx.msk [tilespmem:v56+s23+$0x0], $0xffff  }
0x42a: {  	vm6 =	vgt.f32 v22, $0.0e+00;
	v18 =	vmul.f32 v62, v33;
	v52 =	vld.idx.msk [tilespmem:v58+s23+$0x0], $0xffff  }
0x42b: {  	v30 =	vmul.f32 v30, v45;
	[tilespmem:v57+s22+$0x0] =	vst.idx.add.f32.msk $0xffff, v28  }
0x42c: {  	[tilespmem:v13+s11+$0x0] =	vst.idx.add.f32.msk vm2, v18  }
0x42d: {  	v56 =	vmul.f32 v21, v36;
	[tilespmem:v59+s22+$0x0] =	vst.idx.add.f32.msk $0xffff, v30  }
0x42e: {  	v51 =	vld.idx.msk [tilespmem:v57+s23+$0x0], $0xffff;
	v57 =	vmul.f32 v22, v37  }
0x42f: {  	[tilespmem:v8+s11+$0x0] =	vst.idx.add.f32.msk vm5, v56;
	v14 =	vmul.f32 v14, v39  }
0x430: {  	vm14 =	vgt.f32 v60, $0.0e+00;
	v17 =	vmul.f32 v17, v40;
	[tilespmem:v11+s11+$0x0] =	vst.idx.add.f32.msk vm6, v57  }
0x431: {  	vm1 =	vgt.f32 v61, $0.0e+00;
	[tilespmem:v53+s22+$0x0] =	vst.idx.add.f32.msk $0xffff, v14  }
0x432: {  	vm11 =	vgt.f32 v49, $0.0e+00;
	[tilespmem:v54+s22+$0x0] =	vst.idx.add.f32.msk $0xffff, v17  }
0x433: {  	vm3 =	vgt.f32 v63, $0.0e+00;
	v47 =	vld.idx.msk [tilespmem:v53+s23+$0x0], $0xffff  }
0x434: {  	v14 =	vmul.f32 v60, v31;
	vm15 =	vgt.f32 v46, $0.0e+00;
	v48 =	vld.idx.msk [tilespmem:v54+s23+$0x0], $0xffff  }
0x435: {  	v17 =	vmul.f32 v61, v32;
	vm12 =	vgt.f32 v50, $0.0e+00;
	v53 =	vld.idx.msk [tilespmem:v59+s23+$0x0], $0xffff  }
0x436: {  	v61 =	vmul.f32 v49, v41;
	[tilespmem:v15+s11+$0x0] =	vst.idx.add.f32.msk vm14, v14;
	vm13 =	vgt.f32 v51, $0.0e+00  }
0x437: {  	v54 =	vmul.f32 v63, v34;
	[tilespmem:v16+s11+$0x0] =	vst.idx.add.f32.msk vm1, v17;
	vm14 =	vgt.f32 v52, $0.0e+00  }
0x438: {  	v58 =	vmul.f32 v46, v38;
	[tilespmem:v1+s11+$0x0] =	vst.idx.add.f32.msk vm11, v61;
	vm9 =	vgt.f32 v47, $0.0e+00  }
0x439: {  	v62 =	vmul.f32 v50, v42;
	[tilespmem:v12+s11+$0x0] =	vst.idx.add.f32.msk vm3, v54;
	vm10 =	vgt.f32 v48, $0.0e+00  }
0x43a: {  	v63 =	vmul.f32 v51, v43;
	[tilespmem:v9+s11+$0x0] =	vst.idx.add.f32.msk vm15, v58;
	vm15 =	vgt.f32 v53, $0.0e+00  }
0x43b: {  	v1 =	vmul.f32 v52, v44;
	[tilespmem:v2+s11+$0x0] =	vst.idx.add.f32.msk vm12, v62  }
0x43c: {  	v59 =	vmul.f32 v47, v39;
	[tilespmem:v5+s11+$0x0] =	vst.idx.add.f32.msk vm13, v63  }
0x43d: {  	v60 =	vmul.f32 v48, v40;
	[tilespmem:v6+s11+$0x0] =	vst.idx.add.f32.msk vm14, v1  }
0x43e: {  	v2 =	vmul.f32 v53, v45;
	[tilespmem:v7+s11+$0x0] =	vst.idx.add.f32.msk vm9, v59  }
0x43f: {  	[tilespmem:v4+s11+$0x0] =	vst.idx.add.f32.msk vm10, v60  }
0x440: {  	s7 =	simm.s32 $0x0;
	s8 =	simm.s32 $0xD180;
	[tilespmem:v3+s11+$0x0] =	vst.idx.add.f32.msk vm15, v2  }
.LBB2_19:
0x441: {  	v16 =	vld [tilespmem:s8+$0x70];
	s7 =	sadd.s32 $0x10, s7  }
0x442: {  	v12 =	vld [tilespmem:s8+$0xFFFFFF80];
	p0 =	slt.u32 s7, $0xF0  }
0x443: {  	v11 =	vld [tilespmem:s8+$0xFFFFFF90]  }
0x444: {  	v4 =	vld [tilespmem:s8+$0xFFFFFFA0]  }
0x445: {  	v3 =	vld [tilespmem:s8+$0xFFFFFFB0]  }
0x446: {  	v2 =	vld [tilespmem:s8+$0xFFFFFFC0]  }
0x447: {  	s24 =	sadd.s32 $0x100, s24;
	v1 =	vld [tilespmem:s8+$0xFFFFFFD0]  }
0x448: {  	v13 =	vld [tilespmem:s24+$0x70]  }
0x449: {  	s25 =	sadd.s32 $0x100, s25;
	v10 =	vld.idx.msk [tilespmem:v16+s10+$0x0], $0xffff  }
0x44a: {  	v17 =	vld [tilespmem:s25+$0x70]  }
0x44b: {  	v5 =	vld [tilespmem:s8+$0xFFFFFFE0]  }
0x44c: {  	v6 =	vld [tilespmem:s8+$0xFFFFFFF0]  }
0x44d: {  	v7 =	vld [tilespmem:s8+$0x0]  }
0x44e: {  	v8 =	vld [tilespmem:s8+$0x10]  }
0x44f: {  	v9 =	vld [tilespmem:s8+$0x20];
	v14 =	vmul.f32 v10, v17  }
0x450: {  	v10 =	vld [tilespmem:s8+$0x30]  }
0x451: {  	[tilespmem:v13+s22+$0x0] =	vst.idx.add.f32.msk $0xffff, v14  }
0x452: {  	v18 =	vld.idx.msk [tilespmem:v13+s23+$0x0], $0xffff  }
0x453: {  	v13 =	vld [tilespmem:s8+$0x40]  }
0x454: {  	v14 =	vld [tilespmem:s8+$0x50]  }
0x455: {  	v15 =	vld [tilespmem:s8+$0x60]  }
0x456: {  	v19 =	vld.idx.msk [tilespmem:v12+s10+$0x0], $0xffff  }
0x457: {  	v20 =	vld.idx.msk [tilespmem:v11+s10+$0x0], $0xffff  }
0x458: {  	vm0 =	vgt.f32 v18, $0.0e+00;
	v21 =	vld.idx.msk [tilespmem:v4+s10+$0x0], $0xffff  }
0x459: {  	v22 =	vld.idx.msk [tilespmem:v3+s10+$0x0], $0xffff  }
0x45a: {  	v23 =	vld.idx.msk [tilespmem:v2+s10+$0x0], $0xffff  }
0x45b: {  	v24 =	vld.idx.msk [tilespmem:v1+s10+$0x0], $0xffff  }
0x45c: {  	v17 =	vmul.f32 v18, v17;
	v25 =	vld.idx.msk [tilespmem:v5+s10+$0x0], $0xffff  }
0x45d: {  	v18 =	vld.idx.msk [tilespmem:v6+s10+$0x0], $0xffff  }
0x45e: {  	[tilespmem:v16+s11+$0x0] =	vst.idx.add.f32.msk vm0, v17  }
0x45f: {  	v16 =	vld.idx.msk [tilespmem:v7+s10+$0x0], $0xffff  }
0x460: {  	v26 =	vld.idx.msk [tilespmem:v8+s10+$0x0], $0xffff  }
0x461: {  	v27 =	vld.idx.msk [tilespmem:v9+s10+$0x0], $0xffff  }
0x462: {  	v28 =	vld.idx.msk [tilespmem:v10+s10+$0x0], $0xffff  }
0x463: {  	v29 =	vld.idx.msk [tilespmem:v13+s10+$0x0], $0xffff  }
0x464: {  	v30 =	vld.idx.msk [tilespmem:v14+s10+$0x0], $0xffff  }
0x465: {  	v31 =	vld.idx.msk [tilespmem:v15+s10+$0x0], $0xffff  }
0x466: {  	v32 =	vld [tilespmem:s25+$0xFFFFFF80]  }
0x467: {  	v33 =	vld [tilespmem:s25+$0xFFFFFF90]  }
0x468: {  	v34 =	vld [tilespmem:s25+$0xFFFFFFA0]  }
0x469: {  	v35 =	vld [tilespmem:s25+$0xFFFFFFB0]  }
0x46a: {  	v36 =	vld [tilespmem:s25+$0xFFFFFFC0]  }
0x46b: {  	v37 =	vmul.f32 v19, v32;
	v38 =	vld [tilespmem:s25+$0xFFFFFFD0]  }
0x46c: {  	v39 =	vmul.f32 v20, v33;
	v40 =	vld [tilespmem:s25+$0xFFFFFFE0]  }
0x46d: {  	v41 =	vmul.f32 v21, v34;
	v42 =	vld [tilespmem:s25+$0xFFFFFFF0]  }
0x46e: {  	v43 =	vmul.f32 v22, v35;
	v22 =	vld [tilespmem:s25+$0x0]  }
0x46f: {  	v23 =	vmul.f32 v23, v36;
	v21 =	vld [tilespmem:s25+$0x10]  }
0x470: {  	v24 =	vmul.f32 v24, v38;
	v20 =	vld [tilespmem:s25+$0x20]  }
0x471: {  	v25 =	vmul.f32 v25, v40;
	v19 =	vld [tilespmem:s25+$0x30]  }
0x472: {  	v44 =	vmul.f32 v18, v42;
	v18 =	vld [tilespmem:s25+$0x40]  }
0x473: {  	v45 =	vmul.f32 v16, v22;
	v17 =	vld [tilespmem:s25+$0x50]  }
0x474: {  	v26 =	vmul.f32 v26, v21;
	v16 =	vld [tilespmem:s25+$0x60]  }
0x475: {  	v46 =	vld [tilespmem:s24+$0xFFFFFF90];
	v27 =	vmul.f32 v27, v20  }
0x476: {  	v47 =	vld [tilespmem:s24+$0xFFFFFFA0];
	v28 =	vmul.f32 v28, v19  }
0x477: {  	v48 =	vld [tilespmem:s24+$0xFFFFFFB0];
	v29 =	vmul.f32 v29, v18  }
0x478: {  	v49 =	vld [tilespmem:s24+$0xFFFFFFC0];
	v30 =	vmul.f32 v30, v17  }
0x479: {  	v50 =	vld [tilespmem:s24+$0xFFFFFFD0];
	v31 =	vmul.f32 v31, v16  }
0x47a: {  	v51 =	vld [tilespmem:s24+$0xFFFFFFE0]  }
0x47b: {  	v52 =	vld [tilespmem:s24+$0xFFFFFFF0]  }
0x47c: {  	v53 =	vld [tilespmem:s24+$0x0]  }
0x47d: {  	v54 =	vld [tilespmem:s24+$0x10]  }
0x47e: {  	v55 =	vld [tilespmem:s24+$0x20]  }
0x47f: {  	v56 =	vld [tilespmem:s24+$0x30]  }
0x480: {  	v57 =	vld [tilespmem:s24+$0x40]  }
0x481: {  	v58 =	vld [tilespmem:s24+$0x50]  }
0x482: {  	v59 =	vld [tilespmem:s24+$0x60]  }
0x483: {  	v60 =	vld [tilespmem:s24+$0xFFFFFF80]  }
0x484: {  	[tilespmem:v46+s22+$0x0] =	vst.idx.add.f32.msk $0xffff, v39  }
0x485: {  	[tilespmem:v47+s22+$0x0] =	vst.idx.add.f32.msk $0xffff, v41  }
0x486: {  	[tilespmem:v48+s22+$0x0] =	vst.idx.add.f32.msk $0xffff, v43  }
0x487: {  	[tilespmem:v49+s22+$0x0] =	vst.idx.add.f32.msk $0xffff, v23  }
0x488: {  	[tilespmem:v50+s22+$0x0] =	vst.idx.add.f32.msk $0xffff, v24  }
0x489: {  	[tilespmem:v51+s22+$0x0] =	vst.idx.add.f32.msk $0xffff, v25  }
0x48a: {  	[tilespmem:v52+s22+$0x0] =	vst.idx.add.f32.msk $0xffff, v44  }
0x48b: {  	[tilespmem:v60+s22+$0x0] =	vst.idx.add.f32.msk $0xffff, v37  }
0x48c: {  	[tilespmem:v53+s22+$0x0] =	vst.idx.add.f32.msk $0xffff, v45  }
0x48d: {  	[tilespmem:v54+s22+$0x0] =	vst.idx.add.f32.msk $0xffff, v26  }
0x48e: {  	[tilespmem:v55+s22+$0x0] =	vst.idx.add.f32.msk $0xffff, v27  }
0x48f: {  	[tilespmem:v56+s22+$0x0] =	vst.idx.add.f32.msk $0xffff, v28  }
0x490: {  	[tilespmem:v57+s22+$0x0] =	vst.idx.add.f32.msk $0xffff, v29  }
0x491: {  	[tilespmem:v58+s22+$0x0] =	vst.idx.add.f32.msk $0xffff, v30  }
0x492: {  	[tilespmem:v59+s22+$0x0] =	vst.idx.add.f32.msk $0xffff, v31  }
0x493: {  	v23 =	vld.idx.msk [tilespmem:v60+s23+$0x0], $0xffff  }
0x494: {  	v24 =	vld.idx.msk [tilespmem:v46+s23+$0x0], $0xffff  }
0x495: {  	v25 =	vld.idx.msk [tilespmem:v47+s23+$0x0], $0xffff  }
0x496: {  	v26 =	vld.idx.msk [tilespmem:v48+s23+$0x0], $0xffff  }
0x497: {  	v27 =	vld.idx.msk [tilespmem:v49+s23+$0x0], $0xffff  }
0x498: {  	v28 =	vld.idx.msk [tilespmem:v50+s23+$0x0], $0xffff  }
0x499: {  	v29 =	vmul.f32 v23, v32;
	vm0 =	vgt.f32 v23, $0.0e+00;
	v23 =	vld.idx.msk [tilespmem:v51+s23+$0x0], $0xffff  }
0x49a: {  	v30 =	vmul.f32 v24, v33;
	vm1 =	vgt.f32 v24, $0.0e+00;
	v24 =	vld.idx.msk [tilespmem:v52+s23+$0x0], $0xffff  }
0x49b: {  	v31 =	vmul.f32 v25, v34;
	vm2 =	vgt.f32 v25, $0.0e+00;
	v25 =	vld.idx.msk [tilespmem:v53+s23+$0x0], $0xffff  }
0x49c: {  	v32 =	vmul.f32 v26, v35;
	vm3 =	vgt.f32 v26, $0.0e+00;
	v26 =	vld.idx.msk [tilespmem:v54+s23+$0x0], $0xffff  }
0x49d: {  	v33 =	vmul.f32 v27, v36;
	vm4 =	vgt.f32 v27, $0.0e+00;
	v27 =	vld.idx.msk [tilespmem:v55+s23+$0x0], $0xffff  }
0x49e: {  	v34 =	vmul.f32 v28, v38;
	vm5 =	vgt.f32 v28, $0.0e+00;
	v28 =	vld.idx.msk [tilespmem:v56+s23+$0x0], $0xffff  }
0x49f: {  	v35 =	vmul.f32 v23, v40;
	vm6 =	vgt.f32 v23, $0.0e+00;
	v23 =	vld.idx.msk [tilespmem:v57+s23+$0x0], $0xffff  }
0x4a0: {  	v36 =	vmul.f32 v24, v42;
	vm7 =	vgt.f32 v24, $0.0e+00;
	v24 =	vld.idx.msk [tilespmem:v58+s23+$0x0], $0xffff  }
0x4a1: {  	v22 =	vmul.f32 v25, v22;
	vm8 =	vgt.f32 v25, $0.0e+00;
	v25 =	vld.idx.msk [tilespmem:v59+s23+$0x0], $0xffff  }
0x4a2: {  	[tilespmem:v12+s11+$0x0] =	vst.idx.add.f32.msk vm0, v29;
	v12 =	vmul.f32 v26, v21;
	vm0 =	vgt.f32 v26, $0.0e+00  }
0x4a3: {  	[tilespmem:v11+s11+$0x0] =	vst.idx.add.f32.msk vm1, v30;
	v11 =	vmul.f32 v27, v20;
	vm1 =	vgt.f32 v27, $0.0e+00  }
0x4a4: {  	[tilespmem:v4+s11+$0x0] =	vst.idx.add.f32.msk vm2, v31;
	v4 =	vmul.f32 v28, v19;
	vm2 =	vgt.f32 v28, $0.0e+00  }
0x4a5: {  	[tilespmem:v3+s11+$0x0] =	vst.idx.add.f32.msk vm3, v32;
	v3 =	vmul.f32 v23, v18;
	vm3 =	vgt.f32 v23, $0.0e+00  }
0x4a6: {  	[tilespmem:v2+s11+$0x0] =	vst.idx.add.f32.msk vm4, v33;
	v2 =	vmul.f32 v24, v17;
	vm4 =	vgt.f32 v24, $0.0e+00  }
0x4a7: {  	[tilespmem:v1+s11+$0x0] =	vst.idx.add.f32.msk vm5, v34;
	v1 =	vmul.f32 v25, v16;
	vm5 =	vgt.f32 v25, $0.0e+00  }
0x4a8: {  	[tilespmem:v5+s11+$0x0] =	vst.idx.add.f32.msk vm6, v35  }
0x4a9: {  	[tilespmem:v6+s11+$0x0] =	vst.idx.add.f32.msk vm7, v36  }
0x4aa: {  	[tilespmem:v7+s11+$0x0] =	vst.idx.add.f32.msk vm8, v22  }
0x4ab: {  	[tilespmem:v8+s11+$0x0] =	vst.idx.add.f32.msk vm0, v12  }
.Ltmp8:
0x4ac: {  	[tilespmem:v9+s11+$0x0] =	vst.idx.add.f32.msk vm1, v11;
	(pc) =	sbr.rel @p0 .LBB2_19-.Ltmp8, $4  }
0x4ad: {  	[tilespmem:v10+s11+$0x0] =	vst.idx.add.f32.msk vm2, v4  }
0x4ae: {  	[tilespmem:v13+s11+$0x0] =	vst.idx.add.f32.msk vm3, v3  }
0x4af: {  	[tilespmem:v14+s11+$0x0] =	vst.idx.add.f32.msk vm4, v2  }
0x4b0: {  	s8 =	sadd.s32 $0x100, s8;
	[tilespmem:v15+s11+$0x0] =	vst.idx.add.f32.msk vm5, v1  }
0x4b1: {  	s28 =	sadd.s32 $0x1, s28  }
0x4b2: {  	p0 =	sne.s32 s28, $0xA  }
.Ltmp9:
0x4b3: {  	_ = 	snop;
	(pc) =	sbr.rel @p0 .LBB2_16-.Ltmp9, $1  }
0x4b4: {  	_ =	sdelay $0x3  }
0x4b5: {  	s7 =	rddreg [dreg:$0x14];
	s8 =	simm.s32 $0x80;
	s24 =	simm.s32 $0x400  }
0x4b6: {  	[hbm4b:s7+s8] =	stream.strided.scatter [tilespmem:s18], [sflag:$0x7], $0x4000, s24, s8, $0x38;
	[tilespmem:$0x1C000] =	vst v63  }
0x4b7: {  	s29 =	rddreg [dreg:$0x15]  }
0x4b8: {  	[hbm4b:s29+s8] =	stream.strided.scatter [tilespmem:s11], [sflag:$0x8], $0x4000, s24, s8, $0x38;
	[tilespmem:$0x1C000] =	vst v63  }
0x4b9: {  	s25 =	rddreg [dreg:$0x16];
	s28 =	simm.s32 $0x7  }
0x4ba: {  	[hbm4b:s25+s8] =	stream.strided.scatter [tilespmem:s22], [sflag:$0x9], $0x4000, s24, s8, $0x38;
	[tilespmem:$0x1C000] =	vst v63  }
0x4bb: {  	_ =	swait.ge [sflag:s28], $0x4000  }
0x4bc: {  	[sflag:s28] =	ssyncset.done $0x0  }
0x4bd: {  	[sflag:s28] =	ssyncadd.s32 $0xFFFFC000  }
0x4be: {  	_ =	swait.ge [sflag:s9], $0x4000  }
0x4bf: {  	[sflag:s9] =	ssyncset.done $0x0  }
0x4c0: {  	[sflag:s9] =	ssyncadd.s32 $0xFFFFC000  }
0x4c1: {  	_ =	swait.ge [sflag:s30], $0x4000  }
0x4c2: {  	s26 =	sadd.s32 $0x1, s26;
	s29 =	rddreg [dreg:$0x17]  }
0x4c3: {  	p0 =	sne.s32 s26, s29  }
.Ltmp10:
0x4c4: {  	_ = 	snop;
	(pc) =	sbr.rel @p0 .LBB2_1-.Ltmp10, $3  }
0x4c5: {  	_ =	sdelay $0x1  }
0x4c6: {  	[sflag:s30] =	ssyncset.done $0x0  }
0x4c7: {  	[sflag:s30] =	ssyncadd.s32 $0xFFFFC000  }
0x4c8: {  	_ =	sfence.sel $0x180000  }
0x4c9: {  	[bflag:$0x0] =	sbarrier.arrive $0xFFFF  }
0x4ca: {  	_ =	strace $0x90000047  }
0x4cb: {  	s0 =	stileid.u32;
	[bflag:$0x2] =	sbarrier.arrive $0xFFFF  }
0x4cc: {  	p0 =	sne.s32 s0, $0x0;
	s0 =	rddreg [dreg:$0xa]  }
0x4cd: {  	s0 =	sadd.s32 @!p0 $0x100000, s0  }
0x4ce: {  	[sflag:s0] =	ssyncadd.tile.s32 @!p0 $0x1;
	_ =	shalt  }
.Lfunc_end2:
_tile_overlayer_lowered:
.L_overlay_start_2:
0x4cf: {  	(tag) =	ssettag $0x2  }
0x4d0: {  	s0 =	rddreg [dreg:$0x0];
	s2 =	stileid.u32  }
0x4d1: {  	s1 =	rddreg [dreg:$0x1];
	p0 =	sne.s32 s2, $0x0  }
0x4d2: {  	s3 =	rddreg [dreg:$0x2];
	[bflag:$0x3] =	sbarrier.arrive $0xFFFF;
	s2 =	simm.s32 @!p0 $0x1C0A  }
0x4d3: {  	[timem:s3], [sflag:s2] =	dma.local @!p0 [hbm:s0], s1  }
0x4d4: {  	s0 =	simm.s32 @!p0 $0xA  }
0x4d5: {  	_ =	swait.ge @!p0 [sflag:s0], s1  }
0x4d6: {  	s1 =	ssub.s32 @!p0 $0x0, s1;
	[sflag:s0] =	ssyncset.done @!p0 $0x0  }
0x4d7: {  	[sflag:s0] =	ssyncadd.s32 @!p0 s1  }
0x4d8: {  	[bflag:$0x3] =	sbarrier.arrive $0xFFFF  }
0x4d9: {  	_ =	shalt  }

</sc_bundles>
